<compile_context>
chip_gen: v7x
topology: tpu7x:2x2x1
jax: 0.10.2.dev20260603
libtpu: 0.0.44.dev20260713+nightly
codegen_flags: <defaults>
</compile_context>

<pallas_src>
import functools

import jax
import jax.numpy as jnp
from jax import lax
from jax.experimental import pallas as pl
from jax.experimental.pallas import tpu as pltpu
from jax.experimental.pallas import tpu_sc as plsc

N_NODES = 20000
N_EDGES = 100000
NPAD = 20480
EPAD = 102400
DUMMY = N_NODES
NW = 32
EW = EPAD // NW
CW = EW // 128
NSL = NPAD // 16

@functools.cache
def _sc_mesh():
    return plsc.VectorSubcoreMesh(core_axis_name="c", subcore_axis_name="s")

_DOT = functools.partial(jnp.dot, precision=jax.lax.Precision.HIGHEST,
                         preferred_element_type=jnp.float32)
_FDOT = functools.partial(jnp.dot, precision=jax.lax.Precision.DEFAULT,
                          preferred_element_type=jnp.float32)



def _sc_gather(table, idx2d, d):

    @functools.partial(
        pl.kernel, mesh=_sc_mesh(),
        compiler_params=pltpu.CompilerParams(use_tc_tiling_on_sc=False),
        out_type=jax.ShapeDtypeStruct((EPAD, d), jnp.float32),
        scratch_types=[pltpu.VMEM((32, 128), jnp.int32),
                       pltpu.VMEM((30 * 128, d), jnp.float32),
                       pltpu.SemaphoreType.DMA],
    )
    def k(table_hbm, idx_hbm, out_hbm, idx_v, rows_v, sem):
        cid = lax.axis_index("c")
        sid = lax.axis_index("s")
        cw = 30 - 10 * cid
        st = cid * 480 + sid * cw
        pltpu.sync_copy(idx_hbm.at[cid * 16 + sid], idx_v)

        @pl.loop(0, 30)
        def _(j):
            @pl.when(j < cw)
            def _():
                pltpu.async_copy(table_hbm.at[idx_v.at[j]],
                                 rows_v.at[pl.ds(j * 128, 128)], sem)

        @pl.loop(0, 30)
        def _(j):
            @pl.when(j < cw)
            def _():
                pltpu.make_async_copy(
                    table_hbm.at[idx_v.at[j]],
                    rows_v.at[pl.ds(j * 128, 128)], sem).wait()
                pltpu.sync_copy(rows_v.at[pl.ds(j * 128, 128)],
                                out_hbm.at[pl.ds((st + j) * 128, 128)])

    return k(table, idx2d)


def _sc_scatter_add(msg, idx2d, zeros, d):

    @functools.partial(
        pl.kernel, mesh=_sc_mesh(),
        compiler_params=pltpu.CompilerParams(use_tc_tiling_on_sc=False),
        out_type=jax.ShapeDtypeStruct((2, NPAD, d), jnp.float32),
        scratch_types=[pltpu.VMEM((32, 128), jnp.int32),
                       pltpu.VMEM((256, d), jnp.float32),
                       pltpu.VMEM_SHARED((NPAD, d), jnp.float32),
                       pltpu.SemaphoreType.DMA],
    )
    def k(msg_hbm, idx_hbm, zeros_hbm, out_hbm, idx_v, msg_v, acc_sh, sem):
        cid = lax.axis_index("c")
        sid = lax.axis_index("s")
        wid = sid * 2 + cid
        pltpu.sync_copy(zeros_hbm.at[pl.ds(sid * NSL, NSL)],
                        acc_sh.at[pl.ds(sid * NSL, NSL)])
        pltpu.sync_copy(idx_hbm.at[wid], idx_v)
        plsc.subcore_barrier()

        pltpu.async_copy(msg_hbm.at[pl.ds(wid * EW, 128)],
                         msg_v.at[pl.ds(0, 128)], sem)

        @pl.loop(0, CW)
        def _(j):
            buf = (j % 2) * 128
            nxt = j + 1

            @pl.when(nxt < CW)
            def _():
                pltpu.async_copy(
                    msg_hbm.at[pl.ds(wid * EW + nxt * 128, 128)],
                    msg_v.at[pl.ds((nxt % 2) * 128, 128)], sem)

            pltpu.make_async_copy(
                msg_hbm.at[pl.ds(wid * EW + j * 128, 128)],
                msg_v.at[pl.ds(buf, 128)], sem).wait()
            pltpu.sync_copy(msg_v.at[pl.ds(buf, 128)],
                            acc_sh.at[idx_v.at[j]], add=True)

        plsc.subcore_barrier()
        pltpu.sync_copy(acc_sh.at[pl.ds(sid * NSL, NSL)],
                        out_hbm.at[cid, pl.ds(sid * NSL, NSL)])

    return k(msg, idx2d, zeros)



_ET = 5120
_NT = 4096


def _edge_messages(eap, xjp, W1, b1, W2, b2, in_ch, out_ch):
    kio = in_ch * out_ch
    G = 128 // out_ch

    def blkdiag(m):
        r, c = m.shape
        out = jnp.zeros((8 * r, 8 * c), jnp.float32)
        for t in range(8):
            out = out.at[t * r:(t + 1) * r, t * c:(t + 1) * c].set(m)
        return out

    rt = (jnp.arange(in_ch)[:, None]
          == (jnp.arange(kio)[None, :] // out_ch)).astype(jnp.float32)
    fold = ((jnp.arange(128)[:, None] % out_ch)
            == jnp.arange(out_ch)[None, :]).astype(jnp.float32)
    w1b = blkdiag(W1)
    w2b = blkdiag(W2)
    rtb = blkdiag(rt)
    sb = blkdiag(fold)
    b1p = jnp.tile(b1.reshape(1, -1), (1, 8))
    b2p = jnp.tile(b2.reshape(1, -1), (1, 8))

    rows = _ET // 8
    ea_rows = (N_EDGES * 16) // 128

    def body(ea_ref, xj_ref, w1_ref, b1_ref, w2_ref, b2_ref, rt_ref,
             sb_ref, out_ref):
        h = jnp.maximum(_FDOT(ea_ref[...], w1_ref[...]) + b1_ref[...], 0.0)
        w = _FDOT(h, w2_ref[...]) + b2_ref[...]
        xe = _FDOT(xj_ref[...], rt_ref[...])
        p = xe * w
        accs = []
        for t in range(8):
            a = p[:, t * 512:t * 512 + 128]
            for c in range(1, 4):
                a = a + p[:, t * 512 + c * 128:t * 512 + (c + 1) * 128]
            accs.append(a)
        acc = jnp.concatenate(accs, axis=1)
        msg = _FDOT(acc, sb_ref[...])
        rowid = (lax.broadcasted_iota(jnp.int32, (rows, 8 * out_ch), 0)
                 + pl.program_id(0) * rows)
        slot = lax.broadcasted_iota(jnp.int32, (rows, 8 * out_ch), 1) // out_ch
        edge = rowid * 8 + slot
        out_ref[...] = jnp.where(edge < N_EDGES, msg, 0.0)

    return pl.pallas_call(
        body,
        grid=(EPAD // _ET,),
        in_specs=[
            pl.BlockSpec((rows, 128),
                         lambda i: (jnp.minimum(i, (ea_rows + rows - 1) // rows - 1), 0)),
            pl.BlockSpec((rows, 8 * in_ch), lambda i: (i, 0)),
            pl.BlockSpec((128, 256), lambda i: (0, 0)),
            pl.BlockSpec((1, 256), lambda i: (0, 0)),
            pl.BlockSpec((256, 4096), lambda i: (0, 0)),
            pl.BlockSpec((1, 4096), lambda i: (0, 0)),
            pl.BlockSpec((8 * in_ch, 4096), lambda i: (0, 0)),
            pl.BlockSpec((1024, 8 * out_ch), lambda i: (0, 0)),
        ],
        out_specs=pl.BlockSpec((rows, 8 * out_ch), lambda i: (i, 0)),
        out_shape=jax.ShapeDtypeStruct((EPAD // 8, 8 * out_ch), jnp.float32),
        compiler_params=pltpu.CompilerParams(
            dimension_semantics=("parallel",)),
    )(eap, xjp, w1b, b1p, w2b, b2p, rtb, sb)


def _node_update(partials, xp, root, bias, in_ch, out_ch):
    def blkdiag(m):
        r, c = m.shape
        out = jnp.zeros((8 * r, 8 * c), jnp.float32)
        for t in range(8):
            out = out.at[t * r:(t + 1) * r, t * c:(t + 1) * c].set(m)
        return out

    rootb = blkdiag(root)
    biasp = jnp.tile(bias.reshape(1, -1), (1, 8))
    rows = _NT // 8
    xrows = N_NODES * in_ch // 128

    def body(p_ref, x_ref, rootb_ref, bias_ref, out_ref):
        agg = p_ref[0] + p_ref[1]
        out_ref[...] = jnp.maximum(
            agg + _DOT(x_ref[...], rootb_ref[...]) + bias_ref[...], 0.0)

    return pl.pallas_call(
        body,
        grid=(NPAD // _NT,),
        in_specs=[
            pl.BlockSpec((2, rows, 8 * out_ch), lambda i: (0, i, 0)),
            pl.BlockSpec((rows, 8 * in_ch), lambda i: (i, 0)),
            pl.BlockSpec((8 * in_ch, 8 * out_ch), lambda i: (0, 0)),
            pl.BlockSpec((1, 8 * out_ch), lambda i: (0, 0)),
        ],
        out_specs=pl.BlockSpec((rows, 8 * out_ch), lambda i: (i, 0)),
        out_shape=jax.ShapeDtypeStruct((N_NODES * out_ch // (8 * out_ch),
                                        8 * out_ch), jnp.float32),
        compiler_params=pltpu.CompilerParams(
            dimension_semantics=("parallel",)),
    )(partials, xp, rootb, biasp)


def _final(partials, h1p, root, bias, batchpk, fc1_W, fc1_b, out_W, out_b):
    def blkdiag(m):
        r, c = m.shape
        out = jnp.zeros((8 * r, 8 * c), jnp.float32)
        for t in range(8):
            out = out.at[t * r:(t + 1) * r, t * c:(t + 1) * c].set(m)
        return out

    rootb = blkdiag(root)
    biasp = jnp.tile(bias.reshape(1, -1), (1, 8))
    rows = _NT // 8
    ngrid = NPAD // _NT
    realrows = N_NODES // 8

    def body(p_ref, h1_ref, rootb_ref, bias_ref, batch_ref,
             fc1w_ref, fc1b_ref, outw_ref, outb_ref, out_ref, acc_ref):
        i = pl.program_id(0)

        @pl.when(i == 0)
        def _():
            acc_ref[...] = jnp.zeros_like(acc_ref)

        agg = p_ref[0] + p_ref[1]
        out2 = jnp.maximum(
            agg + _DOT(h1_ref[...], rootb_ref[...]) + bias_ref[...], 0.0)
        rowid = lax.broadcasted_iota(jnp.int32, (rows, 1), 0) + i * rows
        out2 = jnp.where(rowid < realrows, out2, 0.0)
        pooled = acc_ref[...]
        for t in range(8):
            b_t = batch_ref[0, t, :]
            oh = (lax.broadcasted_iota(jnp.int32, (64, rows), 0)
                  == b_t[None, :]).astype(jnp.float32)
            m = _DOT(oh, out2)
            pooled = pooled + m[:, t * 16:(t + 1) * 16]
        acc_ref[...] = pooled

        @pl.when(i == ngrid - 1)
        def _():
            hh = jnp.maximum(_DOT(pooled, fc1w_ref[...])
                             + fc1b_ref[...], 0.0)
            out_ref[...] = _DOT(hh, outw_ref[...]) + outb_ref[...]

    return pl.pallas_call(
        body,
        grid=(ngrid,),
        in_specs=[
            pl.BlockSpec((2, rows, 128), lambda i: (0, i, 0)),
            pl.BlockSpec((rows, 256), lambda i: (i, 0)),
            pl.BlockSpec((256, 128), lambda i: (0, 0)),
            pl.BlockSpec((1, 128), lambda i: (0, 0)),
            pl.BlockSpec((1, 8, rows), lambda i: (i, 0, 0)),
            pl.BlockSpec((16, 32), lambda i: (0, 0)),
            pl.BlockSpec((1, 32), lambda i: (0, 0)),
            pl.BlockSpec((32, 1), lambda i: (0, 0)),
            pl.BlockSpec((1, 1), lambda i: (0, 0)),
        ],
        out_specs=pl.BlockSpec((64, 1), lambda i: (0, 0)),
        out_shape=jax.ShapeDtypeStruct((64, 1), jnp.float32),
        scratch_shapes=[pltpu.VMEM((64, 16), jnp.float32)],
        compiler_params=pltpu.CompilerParams(
            dimension_semantics=("arbitrary",)),
    )(partials, h1p, rootb, biasp, batchpk,
      fc1_W, fc1_b.reshape(1, -1), out_W, out_b.reshape(1, -1))



def kernel(x, edge_index, edge_attr, batch,
           c1_W1, c1_b1, c1_W2, c1_b2, c1_root, c1_bias,
           c2_W1, c2_b1, c2_W2, c2_b2, c2_root, c2_bias,
           fc1_W, fc1_b, out_W, out_b):
    src = edge_index[0].astype(jnp.int32)
    dst = edge_index[1].astype(jnp.int32)
    chunks = jnp.pad(src, (0, EPAD - N_EDGES)).reshape(EPAD // 128, 128)
    slabs = []
    for kk in range(NW):
        cwk = 30 if kk < 16 else 20
        stk = kk * 30 if kk < 16 else 480 + (kk - 16) * 20
        slabs.append(jnp.pad(chunks[stk:stk + cwk],
                             ((0, 32 - cwk), (0, 0))))
    src2d = jnp.stack(slabs)
    dst2d = jnp.pad(
        jnp.pad(dst, (0, EPAD - N_EDGES),
                constant_values=DUMMY).reshape(NW, CW, 128),
        ((0, 0), (0, 32 - CW), (0, 0)), constant_values=DUMMY)
    batchpk = jnp.pad(batch.astype(jnp.int32), (0, NPAD - N_NODES),
                      constant_values=64
                      ).reshape(NPAD // _NT, _NT // 8, 8
                                ).transpose(0, 2, 1)
    zeros32 = jnp.zeros((NPAD, 32), jnp.float32)
    zeros16 = jnp.zeros((NPAD, 16), jnp.float32)

    eap = edge_attr.reshape((N_EDGES * 16) // 128, 128)

    xj1 = _sc_gather(x, src2d, 16)
    msg1 = _edge_messages(eap, xj1.reshape(EPAD // 8, 128),
                          c1_W1, c1_b1, c1_W2, c1_b2, 16, 32)
    part1 = _sc_scatter_add(msg1.reshape(EPAD, 32), dst2d, zeros32, 32)
    out1 = _node_update(part1.reshape(2, NPAD // 8, 256),
                        x.reshape(N_NODES * 16 // 128, 128),
                        c1_root, c1_bias, 16, 32)

    xj2 = _sc_gather(out1.reshape(N_NODES, 32), src2d, 32)
    msg2 = _edge_messages(eap, xj2.reshape(EPAD // 8, 256),
                          c2_W1, c2_b1, c2_W2, c2_b2, 32, 16)
    part2 = _sc_scatter_add(msg2.reshape(EPAD, 16), dst2d, zeros16, 16)

    return _final(part2.reshape(2, NPAD // 8, 128), out1,
                  c2_root, c2_bias, batchpk,
                  fc1_W, fc1_b, out_W, out_b)

# --- scband reference (transcript-rebuilt; emitter-appended) ---
"""Pipeline reference for scband-example-net-9594956939892 (READ-ONLY COPY).

The authoritative reference and input builder live on the scoring server;
editing this copy changes nothing except your own understanding.
"""

import jax, jax.numpy as jnp
import numpy as np

N_NODES = 20000
N_EDGES = 100000
D_NODE = 16
D_EDGE = 16
NUM_GRAPHS = 64


def setup_inputs(seed: int = 0) -> dict:
    key = jax.random.key(seed)
    ks = jax.random.split(key, 20)
    x = jax.random.normal(ks[0], (N_NODES, D_NODE), dtype=jnp.float32)
    edge_index = jax.random.randint(ks[1], (2, N_EDGES), 0, N_NODES, dtype=jnp.int64)
    edge_attr = jax.random.normal(ks[2], (N_EDGES, D_EDGE), dtype=jnp.float32)
    batch = jnp.sort(jax.random.randint(ks[3], (N_NODES,), 0, NUM_GRAPHS, dtype=jnp.int64))
    s = 0.1
    # conv1 edge network: Linear(16,32) -> ReLU -> Linear(32, 32*16)
    c1_W1 = jax.random.normal(ks[4], (D_EDGE, 32), dtype=jnp.float32) * s
    c1_b1 = jnp.zeros((32,), dtype=jnp.float32)
    c1_W2 = jax.random.normal(ks[5], (32, 32 * D_NODE), dtype=jnp.float32) * s
    c1_b2 = jnp.zeros((32 * D_NODE,), dtype=jnp.float32)
    c1_root = jax.random.normal(ks[6], (D_NODE, 32), dtype=jnp.float32) * s
    c1_bias = jnp.zeros((32,), dtype=jnp.float32)
    # conv2 edge network: Linear(16,32) -> ReLU -> Linear(32, 32*16)
    c2_W1 = jax.random.normal(ks[7], (D_EDGE, 32), dtype=jnp.float32) * s
    c2_b1 = jnp.zeros((32,), dtype=jnp.float32)
    c2_W2 = jax.random.normal(ks[8], (32, 32 * 16), dtype=jnp.float32) * s
    c2_b2 = jnp.zeros((32 * 16,), dtype=jnp.float32)
    c2_root = jax.random.normal(ks[9], (32, 16), dtype=jnp.float32) * s
    c2_bias = jnp.zeros((16,), dtype=jnp.float32)
    fc1_W = jax.random.normal(ks[10], (16, 32), dtype=jnp.float32) * s
    fc1_b = jnp.zeros((32,), dtype=jnp.float32)
    out_W = jax.random.normal(ks[11], (32, 1), dtype=jnp.float32) * s
    out_b = jnp.zeros((1,), dtype=jnp.float32)
    return {
        "x": x, "edge_index": edge_index, "edge_attr": edge_attr, "batch": batch,
        "c1_W1": c1_W1, "c1_b1": c1_b1, "c1_W2": c1_W2, "c1_b2": c1_b2,
        "c1_root": c1_root, "c1_bias": c1_bias,
        "c2_W1": c2_W1, "c2_b1": c2_b1, "c2_W2": c2_W2, "c2_b2": c2_b2,
        "c2_root": c2_root, "c2_bias": c2_bias,
        "fc1_W": fc1_W, "fc1_b": fc1_b, "out_W": out_W, "out_b": out_b,
    }


def _nnconv(x, edge_index, edge_attr, W1, b1, W2, b2, root, bias, in_ch, out_ch):
    # PyG NNConv: out[i] = x[i] @ root + sum_{e: dst(e)=i} x[src(e)] @ h(edge_attr_e) + bias
    src = edge_index[0]
    dst = edge_index[1]
    h = jax.nn.relu(edge_attr @ W1 + b1)
    w = (h @ W2 + b2).reshape(-1, in_ch, out_ch)   # [E, in, out] dynamic per-edge weights
    x_j = jnp.take(x, src, axis=0)                 # gather source node features
    msg = jnp.einsum('ei,eio->eo', x_j, w)         # per-edge matmul
    agg = jax.ops.segment_sum(msg, dst, num_segments=x.shape[0])  # scatter-add at dst
    return agg + x @ root + bias


def reference(x, edge_index, edge_attr, batch,
              c1_W1, c1_b1, c1_W2, c1_b2, c1_root, c1_bias,
              c2_W1, c2_b1, c2_W2, c2_b2, c2_root, c2_bias,
              fc1_W, fc1_b, out_W, out_b):
    h = jax.nn.relu(_nnconv(x, edge_index, edge_attr, c1_W1, c1_b1, c1_W2, c1_b2,
                            c1_root, c1_bias, D_NODE, 32))
    h = jax.nn.relu(_nnconv(h, edge_index, edge_attr, c2_W1, c2_b1, c2_W2, c2_b2,
                            c2_root, c2_bias, 32, 16))
    pooled = jax.ops.segment_sum(h, batch, num_segments=NUM_GRAPHS)  # global_add_pool
    h = jax.nn.relu(pooled @ fc1_W + fc1_b)
    return h @ out_W + out_b

if __name__ == "__main__":
    import jax
    _d = setup_inputs()
    print(jax.jit(kernel)(*tuple(_d.values())))

</pallas_src>

<mosaic_0001>
#map = affine_map<(d0, d1) -> (0, 0)>
#map1 = affine_map<(d0, d1) -> (0, 0, 0)>
module attributes {stable_mosaic.version = 14 : i64} {
  func.func @k(%arg0: i32, %arg1: i32, %arg2: memref<102400x16xf32, #tpu.memory_space<hbm>>, %arg3: memref<32x32x128xi32, #tpu.memory_space<hbm>>, %arg4: memref<20480x16xf32, #tpu.memory_space<hbm>>, %arg5: memref<2x20480x16xf32, #tpu.memory_space<hbm>>, %arg6: memref<32x128xi32, #tpu.memory_space<vmem>>, %arg7: memref<256x16xf32, #tpu.memory_space<vmem>>, %arg8: memref<20480x16xf32, #tpu.memory_space<vmem_shared>>, %arg9: memref<!tpu.dma_semaphore, #tpu.memory_space<semaphore_mem>>) attributes {dimension_semantics = [#tpu.dimension_semantics<core_parallel>, #tpu.dimension_semantics<subcore_parallel>], iteration_bounds = array<i64: 2, 16>, scalar_prefetch = 0 : i64, scratch_operands = 4 : i64, tpu.core_type = #tpu.core_type<sc_vector_subcore>, window_params = [{transform_indices = #map}, {transform_indices = #map1}, {transform_indices = #map}, {transform_indices = #map1}]} {
    %mul3A = arith.constant 2 : i32
    %mul3A_0 = arith.muli %arg1, %mul3A : i32
    %add3A = arith.addi %mul3A_0, %arg0 : i32
    %mul3A_1 = arith.constant 1280 : i32
    %mul3A_2 = arith.muli %arg1, %mul3A_1 : i32
    %mul3A_3 = arith.constant 1280 : i32
    %mul3A_4 = arith.muli %arg1, %mul3A_3 : i32
    "tpu.region"() ({
      %run_scoped3A = tpu.sem_alloc : memref<!tpu.dma_semaphore, #tpu.memory_space<semaphore_mem>>
      %dma_start3A_25 = arith.constant 0 : i32
      %dma_start3A_26 = tpu.memref_slice %arg8[%mul3A_4, %dma_start3A_25] : memref<20480x16xf32, #tpu.memory_space<vmem_shared>> -> memref<1280x16xf32, #tpu.memory_space<vmem_shared>>
      %dma_start3A_27 = arith.constant 0 : i32
      %dma_start3A_28 = tpu.memref_slice %arg4[%mul3A_2, %dma_start3A_27] : memref<20480x16xf32, #tpu.memory_space<hbm>> -> memref<1280x16xf32, #tpu.memory_space<hbm>>
      tpu.enqueue_dma source(%dma_start3A_28 : memref<1280x16xf32, #tpu.memory_space<hbm>>) target(%dma_start3A_26 : memref<1280x16xf32, #tpu.memory_space<vmem_shared>>) target_semaphore(%run_scoped3A : memref<!tpu.dma_semaphore, #tpu.memory_space<semaphore_mem>>)
      %dma_wait3A = arith.constant 0 : i32
      %dma_wait3A_29 = tpu.memref_slice %arg8[%mul3A_4, %dma_wait3A] : memref<20480x16xf32, #tpu.memory_space<vmem_shared>> -> memref<1280x16xf32, #tpu.memory_space<vmem_shared>>
      %dma_wait3A_30 = arith.constant 0 : i32
      %dma_wait3A_31 = tpu.memref_slice %arg4[%mul3A_2, %dma_wait3A_30] : memref<20480x16xf32, #tpu.memory_space<hbm>> -> memref<1280x16xf32, #tpu.memory_space<hbm>>
      tpu.wait_dma2 semaphore(%run_scoped3A : memref<!tpu.dma_semaphore, #tpu.memory_space<semaphore_mem>>) src(%dma_wait3A_31 : memref<1280x16xf32, #tpu.memory_space<hbm>>) dst(%dma_wait3A_29 : memref<1280x16xf32, #tpu.memory_space<vmem_shared>>)
      tpu.yield
    }) : () -> ()
    "tpu.region"() ({
      %run_scoped3A = tpu.sem_alloc : memref<!tpu.dma_semaphore, #tpu.memory_space<semaphore_mem>>
      %dma_start3A_25 = arith.constant 0 : i32
      %dma_start3A_26 = arith.constant 0 : i32
      %dma_start3A_27 = tpu.memref_slice %arg3[%add3A, %dma_start3A_25, %dma_start3A_26] : memref<32x32x128xi32, #tpu.memory_space<hbm>> -> memref<1x32x128xi32, #tpu.memory_space<hbm>>
      %dma_start3A_28 = tpu.memref_squeeze %dma_start3A_27 : memref<1x32x128xi32, #tpu.memory_space<hbm>> -> memref<32x128xi32, #tpu.memory_space<hbm>>
      %dma_start3A_29 = arith.constant 0 : i32
      %dma_start3A_30 = arith.constant 0 : i32
      %dma_start3A_31 = tpu.memref_slice %arg3[%add3A, %dma_start3A_29, %dma_start3A_30] : memref<32x32x128xi32, #tpu.memory_space<hbm>> -> memref<1x32x128xi32, #tpu.memory_space<hbm>>
      %dma_start3A_32 = tpu.memref_squeeze %dma_start3A_31 : memref<1x32x128xi32, #tpu.memory_space<hbm>> -> memref<32x128xi32, #tpu.memory_space<hbm>>
      tpu.enqueue_dma source(%dma_start3A_32 : memref<32x128xi32, #tpu.memory_space<hbm>>) target(%arg6 : memref<32x128xi32, #tpu.memory_space<vmem>>) target_semaphore(%run_scoped3A : memref<!tpu.dma_semaphore, #tpu.memory_space<semaphore_mem>>)
      %dma_wait3A = arith.constant 0 : i32
      %dma_wait3A_33 = arith.constant 0 : i32
      %dma_wait3A_34 = tpu.memref_slice %arg3[%add3A, %dma_wait3A, %dma_wait3A_33] : memref<32x32x128xi32, #tpu.memory_space<hbm>> -> memref<1x32x128xi32, #tpu.memory_space<hbm>>
      %dma_wait3A_35 = tpu.memref_squeeze %dma_wait3A_34 : memref<1x32x128xi32, #tpu.memory_space<hbm>> -> memref<32x128xi32, #tpu.memory_space<hbm>>
      %dma_wait3A_36 = arith.constant 0 : i32
      %dma_wait3A_37 = arith.constant 0 : i32
      %dma_wait3A_38 = tpu.memref_slice %arg3[%add3A, %dma_wait3A_36, %dma_wait3A_37] : memref<32x32x128xi32, #tpu.memory_space<hbm>> -> memref<1x32x128xi32, #tpu.memory_space<hbm>>
      %dma_wait3A_39 = tpu.memref_squeeze %dma_wait3A_38 : memref<1x32x128xi32, #tpu.memory_space<hbm>> -> memref<32x128xi32, #tpu.memory_space<hbm>>
      tpu.wait_dma2 semaphore(%run_scoped3A : memref<!tpu.dma_semaphore, #tpu.memory_space<semaphore_mem>>) src(%dma_wait3A_39 : memref<32x128xi32, #tpu.memory_space<hbm>>) dst(%arg6 : memref<32x128xi32, #tpu.memory_space<vmem>>)
      tpu.yield
    }) : () -> ()
    %barrier3A = arith.constant 0 : index
    tpu.barrier barrier_id(%barrier3A)
    %mul3A_5 = arith.constant 3200 : i32
    %mul3A_6 = arith.muli %add3A, %mul3A_5 : i32
    %dma_start3A = arith.constant 0 : i32
    %dma_start3A_7 = arith.constant 0 : i32
    %dma_start3A_8 = tpu.memref_slice %arg7[%dma_start3A, %dma_start3A_7] : memref<256x16xf32, #tpu.memory_space<vmem>> -> memref<128x16xf32, #tpu.memory_space<vmem>>
    %dma_start3A_9 = arith.constant 0 : i32
    %dma_start3A_10 = tpu.memref_slice %arg2[%mul3A_6, %dma_start3A_9] : memref<102400x16xf32, #tpu.memory_space<hbm>> -> memref<128x16xf32, #tpu.memory_space<hbm>>
    %dma_start3A_11 = arith.constant 0 : i32
    %dma_start3A_12 = arith.constant 0 : i32
    %dma_start3A_13 = tpu.memref_slice %arg7[%dma_start3A_11, %dma_start3A_12] : memref<256x16xf32, #tpu.memory_space<vmem>> -> memref<128x16xf32, #tpu.memory_space<vmem>>
    %dma_start3A_14 = arith.constant 0 : i32
    %dma_start3A_15 = tpu.memref_slice %arg2[%mul3A_6, %dma_start3A_14] : memref<102400x16xf32, #tpu.memory_space<hbm>> -> memref<128x16xf32, #tpu.memory_space<hbm>>
    tpu.enqueue_dma source(%dma_start3A_15 : memref<128x16xf32, #tpu.memory_space<hbm>>) target(%dma_start3A_13 : memref<128x16xf32, #tpu.memory_space<vmem>>) target_semaphore(%arg9 : memref<!tpu.dma_semaphore, #tpu.memory_space<semaphore_mem>>)
    %scan3A = arith.constant 0 : i32
    %scan3A_16 = arith.constant 25 : i32
    %scan3A_17 = arith.addi %scan3A, %scan3A_16 : i32
    %scan3A_18 = arith.constant 1 : i32
    scf.for %scan3A_25 = %scan3A to %scan3A_17 step %scan3A_18  : i32 {
      %mul3A_26 = arith.constant 1 : i32
      %mul3A_27 = arith.muli %scan3A_25, %mul3A_26 : i32
      %add3A_28 = arith.constant 0 : i32
      %add3A_29 = arith.addi %add3A_28, %mul3A_27 : i32
      %jit3A = arith.constant 2 : i32
      %eq3A = arith.constant 0 : i32
      %eq3A_30 = arith.cmpi eq, %jit3A, %eq3A : i32
      %jit3A_31 = arith.constant 1 : i32
      %select_n3A = arith.select %eq3A_30, %jit3A_31, %jit3A : i32
      %rem3A = arith.remsi %add3A_29, %select_n3A : i32
      %ne3A = arith.constant 0 : i32
      %ne3A_32 = arith.cmpi ne, %rem3A, %ne3A : i32
      %lt3A = arith.constant 0 : i32
      %lt3A_33 = arith.cmpi slt, %rem3A, %lt3A : i32
      %lt3A_34 = arith.constant 0 : i32
      %lt3A_35 = arith.cmpi slt, %select_n3A, %lt3A_34 : i32
      %ne3A_36 = arith.xori %lt3A_33, %lt3A_35 : i1
      %and3A = arith.andi %ne3A_36, %ne3A_32 : i1
      %add3A_37 = arith.addi %rem3A, %select_n3A : i32
      %select_n3A_38 = arith.select %and3A, %add3A_37, %rem3A : i32
      %mul3A_39 = arith.constant 128 : i32
      %mul3A_40 = arith.muli %select_n3A_38, %mul3A_39 : i32
      %add3A_41 = arith.constant 1 : i32
      %add3A_42 = arith.addi %add3A_29, %add3A_41 : i32
      %lt3A_43 = arith.constant 25 : i32
      %lt3A_44 = arith.cmpi slt, %add3A_42, %lt3A_43 : i32
      %convert_element_type3A = arith.extui %lt3A_44 : i1 to i32
      %cond3A = arith.constant 0 : i32
      %cond3A_45 = arith.cmpi ne, %convert_element_type3A, %cond3A : i32
      scf.if %cond3A_45 {
        %mul3A_58 = arith.constant 3200 : i32
        %mul3A_59 = arith.muli %add3A, %mul3A_58 : i32
        %mul3A_60 = arith.constant 128 : i32
        %mul3A_61 = arith.muli %add3A_42, %mul3A_60 : i32
        %add3A_62 = arith.addi %mul3A_59, %mul3A_61 : i32
        %jit3A_63 = arith.constant 2 : i32
        %eq3A_64 = arith.constant 0 : i32
        %eq3A_65 = arith.cmpi eq, %jit3A_63, %eq3A_64 : i32
        %jit3A_66 = arith.constant 1 : i32
        %select_n3A_67 = arith.select %eq3A_65, %jit3A_66, %jit3A_63 : i32
        %rem3A_68 = arith.remsi %add3A_42, %select_n3A_67 : i32
        %ne3A_69 = arith.constant 0 : i32
        %ne3A_70 = arith.cmpi ne, %rem3A_68, %ne3A_69 : i32
        %lt3A_71 = arith.constant 0 : i32
        %lt3A_72 = arith.cmpi slt, %rem3A_68, %lt3A_71 : i32
        %lt3A_73 = arith.constant 0 : i32
        %lt3A_74 = arith.cmpi slt, %select_n3A_67, %lt3A_73 : i32
        %ne3A_75 = arith.xori %lt3A_72, %lt3A_74 : i1
        %and3A_76 = arith.andi %ne3A_75, %ne3A_70 : i1
        %add3A_77 = arith.addi %rem3A_68, %select_n3A_67 : i32
        %select_n3A_78 = arith.select %and3A_76, %add3A_77, %rem3A_68 : i32
        %mul3A_79 = arith.constant 128 : i32
        %mul3A_80 = arith.muli %select_n3A_78, %mul3A_79 : i32
        %dma_start3A_81 = arith.constant 0 : i32
        %dma_start3A_82 = tpu.memref_slice %arg7[%mul3A_80, %dma_start3A_81] : memref<256x16xf32, #tpu.memory_space<vmem>> -> memref<128x16xf32, #tpu.memory_space<vmem>>
        %dma_start3A_83 = arith.constant 0 : i32
        %dma_start3A_84 = tpu.memref_slice %arg2[%add3A_62, %dma_start3A_83] : memref<102400x16xf32, #tpu.memory_space<hbm>> -> memref<128x16xf32, #tpu.memory_space<hbm>>
        %dma_start3A_85 = arith.constant 0 : i32
        %dma_start3A_86 = tpu.memref_slice %arg7[%mul3A_80, %dma_start3A_85] : memref<256x16xf32, #tpu.memory_space<vmem>> -> memref<128x16xf32, #tpu.memory_space<vmem>>
        %dma_start3A_87 = arith.constant 0 : i32
        %dma_start3A_88 = tpu.memref_slice %arg2[%add3A_62, %dma_start3A_87] : memref<102400x16xf32, #tpu.memory_space<hbm>> -> memref<128x16xf32, #tpu.memory_space<hbm>>
        tpu.enqueue_dma source(%dma_start3A_88 : memref<128x16xf32, #tpu.memory_space<hbm>>) target(%dma_start3A_86 : memref<128x16xf32, #tpu.memory_space<vmem>>) target_semaphore(%arg9 : memref<!tpu.dma_semaphore, #tpu.memory_space<semaphore_mem>>)
      } else {
      }
      %mul3A_46 = arith.constant 3200 : i32
      %mul3A_47 = arith.muli %add3A, %mul3A_46 : i32
      %mul3A_48 = arith.constant 128 : i32
      %mul3A_49 = arith.muli %add3A_29, %mul3A_48 : i32
      %add3A_50 = arith.addi %mul3A_47, %mul3A_49 : i32
      %dma_wait3A = arith.constant 0 : i32
      %dma_wait3A_51 = tpu.memref_slice %arg7[%mul3A_40, %dma_wait3A] : memref<256x16xf32, #tpu.memory_space<vmem>> -> memref<128x16xf32, #tpu.memory_space<vmem>>
      %dma_wait3A_52 = arith.constant 0 : i32
      %dma_wait3A_53 = tpu.memref_slice %arg2[%add3A_50, %dma_wait3A_52] : memref<102400x16xf32, #tpu.memory_space<hbm>> -> memref<128x16xf32, #tpu.memory_space<hbm>>
      %dma_wait3A_54 = arith.constant 0 : i32
      %dma_wait3A_55 = tpu.memref_slice %arg7[%mul3A_40, %dma_wait3A_54] : memref<256x16xf32, #tpu.memory_space<vmem>> -> memref<128x16xf32, #tpu.memory_space<vmem>>
      %dma_wait3A_56 = arith.constant 0 : i32
      %dma_wait3A_57 = tpu.memref_slice %arg2[%add3A_50, %dma_wait3A_56] : memref<102400x16xf32, #tpu.memory_space<hbm>> -> memref<128x16xf32, #tpu.memory_space<hbm>>
      tpu.wait_dma2 semaphore(%arg9 : memref<!tpu.dma_semaphore, #tpu.memory_space<semaphore_mem>>) src(%dma_wait3A_57 : memref<128x16xf32, #tpu.memory_space<hbm>>) dst(%dma_wait3A_55 : memref<128x16xf32, #tpu.memory_space<vmem>>)
      "tpu.region"() ({
        %run_scoped3A = tpu.sem_alloc : memref<!tpu.dma_semaphore, #tpu.memory_space<semaphore_mem>>
        %dma_start3A_58 = arith.constant 0 : i32
        %dma_start3A_59 = tpu.memref_slice %arg7[%mul3A_40, %dma_start3A_58] : memref<256x16xf32, #tpu.memory_space<vmem>> -> memref<128x16xf32, #tpu.memory_space<vmem>>
        %dma_start3A_60 = arith.constant 0 : i32
        %dma_start3A_61 = tpu.memref_slice %arg6[%add3A_29, %dma_start3A_60] : memref<32x128xi32, #tpu.memory_space<vmem>> -> memref<1x128xi32, #tpu.memory_space<vmem>>
        %dma_start3A_62 = tpu.memref_squeeze %dma_start3A_61 : memref<1x128xi32, #tpu.memory_space<vmem>> -> memref<128xi32, #tpu.memory_space<vmem>>
        %dma_start3A_63 = arith.constant 0 : i32
        %dma_start3A_64 = arith.constant 0 : i32
        %dma_start3A_65 = tpu.memref_slice %arg8[%dma_start3A_63, %dma_start3A_64] : memref<20480x16xf32, #tpu.memory_space<vmem_shared>> -> memref<20480x16xf32, #tpu.memory_space<vmem_shared>>
        tpu.enqueue_indirect_dma source(%dma_start3A_59 : memref<128x16xf32, #tpu.memory_space<vmem>>) target(%dma_start3A_65 : memref<20480x16xf32, #tpu.memory_space<vmem_shared>>) offsets(%dma_start3A_62 : memref<128xi32, #tpu.memory_space<vmem>>) semaphore(%run_scoped3A : memref<!tpu.dma_semaphore, #tpu.memory_space<semaphore_mem>>) {add = true}
        %dma_wait3A_66 = arith.constant 0 : i32
        %dma_wait3A_67 = tpu.memref_slice %arg7[%mul3A_40, %dma_wait3A_66] : memref<256x16xf32, #tpu.memory_space<vmem>> -> memref<128x16xf32, #tpu.memory_space<vmem>>
        %dma_wait3A_68 = arith.constant 0 : i32
        %dma_wait3A_69 = tpu.memref_slice %arg6[%add3A_29, %dma_wait3A_68] : memref<32x128xi32, #tpu.memory_space<vmem>> -> memref<1x128xi32, #tpu.memory_space<vmem>>
        %dma_wait3A_70 = tpu.memref_squeeze %dma_wait3A_69 : memref<1x128xi32, #tpu.memory_space<vmem>> -> memref<128xi32, #tpu.memory_space<vmem>>
        %dma_wait3A_71 = arith.constant 0 : i32
        %dma_wait3A_72 = arith.constant 0 : i32
        %dma_wait3A_73 = tpu.memref_slice %arg8[%dma_wait3A_71, %dma_wait3A_72] : memref<20480x16xf32, #tpu.memory_space<vmem_shared>> -> memref<20480x16xf32, #tpu.memory_space<vmem_shared>>
        tpu.wait_indirect_dma semaphore(%run_scoped3A : memref<!tpu.dma_semaphore, #tpu.memory_space<semaphore_mem>>) src(%dma_wait3A_67 : memref<128x16xf32, #tpu.memory_space<vmem>>) dst(%dma_wait3A_73 : memref<20480x16xf32, #tpu.memory_space<vmem_shared>>)
        tpu.yield
      }) : () -> ()
    }
    %scan3A_19 = arith.constant 25 : i32
    %barrier3A_20 = arith.constant 0 : index
    tpu.barrier barrier_id(%barrier3A_20)
    %mul3A_21 = arith.constant 1280 : i32
    %mul3A_22 = arith.muli %arg1, %mul3A_21 : i32
    %mul3A_23 = arith.constant 1280 : i32
    %mul3A_24 = arith.muli %arg1, %mul3A_23 : i32
    "tpu.region"() ({
      %run_scoped3A = tpu.sem_alloc : memref<!tpu.dma_semaphore, #tpu.memory_space<semaphore_mem>>
      %dma_start3A_25 = arith.constant 0 : i32
      %dma_start3A_26 = tpu.memref_slice %arg5[%arg0, %mul3A_24, %dma_start3A_25] : memref<2x20480x16xf32, #tpu.memory_space<hbm>> -> memref<1x1280x16xf32, #tpu.memory_space<hbm>>
      %dma_start3A_27 = tpu.memref_squeeze %dma_start3A_26 : memref<1x1280x16xf32, #tpu.memory_space<hbm>> -> memref<1280x16xf32, #tpu.memory_space<hbm>>
      %dma_start3A_28 = arith.constant 0 : i32
      %dma_start3A_29 = tpu.memref_slice %arg8[%mul3A_22, %dma_start3A_28] : memref<20480x16xf32, #tpu.memory_space<vmem_shared>> -> memref<1280x16xf32, #tpu.memory_space<vmem_shared>>
      tpu.enqueue_dma source(%dma_start3A_29 : memref<1280x16xf32, #tpu.memory_space<vmem_shared>>) target(%dma_start3A_27 : memref<1280x16xf32, #tpu.memory_space<hbm>>) target_semaphore(%run_scoped3A : memref<!tpu.dma_semaphore, #tpu.memory_space<semaphore_mem>>)
      %dma_wait3A = arith.constant 0 : i32
      %dma_wait3A_30 = tpu.memref_slice %arg5[%arg0, %mul3A_24, %dma_wait3A] : memref<2x20480x16xf32, #tpu.memory_space<hbm>> -> memref<1x1280x16xf32, #tpu.memory_space<hbm>>
      %dma_wait3A_31 = tpu.memref_squeeze %dma_wait3A_30 : memref<1x1280x16xf32, #tpu.memory_space<hbm>> -> memref<1280x16xf32, #tpu.memory_space<hbm>>
      %dma_wait3A_32 = arith.constant 0 : i32
      %dma_wait3A_33 = tpu.memref_slice %arg8[%mul3A_22, %dma_wait3A_32] : memref<20480x16xf32, #tpu.memory_space<vmem_shared>> -> memref<1280x16xf32, #tpu.memory_space<vmem_shared>>
      tpu.wait_dma2 semaphore(%run_scoped3A : memref<!tpu.dma_semaphore, #tpu.memory_space<semaphore_mem>>) src(%dma_wait3A_33 : memref<1280x16xf32, #tpu.memory_space<vmem_shared>>) dst(%dma_wait3A_31 : memref<1280x16xf32, #tpu.memory_space<hbm>>)
      tpu.yield
    }) : () -> ()
    return
  }
}

#map = affine_map<(d0, d1) -> (0, 0)>
#map1 = affine_map<(d0, d1) -> (0, 0, 0)>
module attributes {stable_mosaic.version = 14 : i64} {
  func.func @k(%arg0: i32, %arg1: i32, %arg2: memref<20000x32xf32, #tpu.memory_space<hbm>>, %arg3: memref<32x32x128xi32, #tpu.memory_space<hbm>>, %arg4: memref<102400x32xf32, #tpu.memory_space<hbm>>, %arg5: memref<32x128xi32, #tpu.memory_space<vmem>>, %arg6: memref<3840x32xf32, #tpu.memory_space<vmem>>, %arg7: memref<!tpu.dma_semaphore, #tpu.memory_space<semaphore_mem>>) attributes {dimension_semantics = [#tpu.dimension_semantics<core_parallel>, #tpu.dimension_semantics<subcore_parallel>], iteration_bounds = array<i64: 2, 16>, scalar_prefetch = 0 : i64, scratch_operands = 3 : i64, tpu.core_type = #tpu.core_type<sc_vector_subcore>, window_params = [{transform_indices = #map}, {transform_indices = #map1}, {transform_indices = #map}]} {
    %mul3A = arith.constant 10 : i32
    %mul3A_0 = arith.muli %mul3A, %arg0 : i32
    %sub3A = arith.constant 30 : i32
    %sub3A_1 = arith.subi %sub3A, %mul3A_0 : i32
    %mul3A_2 = arith.constant 480 : i32
    %mul3A_3 = arith.muli %arg0, %mul3A_2 : i32
    %mul3A_4 = arith.muli %arg1, %sub3A_1 : i32
    %add3A = arith.addi %mul3A_3, %mul3A_4 : i32
    %mul3A_5 = arith.constant 16 : i32
    %mul3A_6 = arith.muli %arg0, %mul3A_5 : i32
    %add3A_7 = arith.addi %mul3A_6, %arg1 : i32
    "tpu.region"() ({
      %run_scoped3A = tpu.sem_alloc : memref<!tpu.dma_semaphore, #tpu.memory_space<semaphore_mem>>
      %dma_start3A = arith.constant 0 : i32
      %dma_start3A_17 = arith.constant 0 : i32
      %dma_start3A_18 = tpu.memref_slice %arg3[%add3A_7, %dma_start3A, %dma_start3A_17] : memref<32x32x128xi32, #tpu.memory_space<hbm>> -> memref<1x32x128xi32, #tpu.memory_space<hbm>>
      %dma_start3A_19 = tpu.memref_squeeze %dma_start3A_18 : memref<1x32x128xi32, #tpu.memory_space<hbm>> -> memref<32x128xi32, #tpu.memory_space<hbm>>
      %dma_start3A_20 = arith.constant 0 : i32
      %dma_start3A_21 = arith.constant 0 : i32
      %dma_start3A_22 = tpu.memref_slice %arg3[%add3A_7, %dma_start3A_20, %dma_start3A_21] : memref<32x32x128xi32, #tpu.memory_space<hbm>> -> memref<1x32x128xi32, #tpu.memory_space<hbm>>
      %dma_start3A_23 = tpu.memref_squeeze %dma_start3A_22 : memref<1x32x128xi32, #tpu.memory_space<hbm>> -> memref<32x128xi32, #tpu.memory_space<hbm>>
      tpu.enqueue_dma source(%dma_start3A_23 : memref<32x128xi32, #tpu.memory_space<hbm>>) target(%arg5 : memref<32x128xi32, #tpu.memory_space<vmem>>) target_semaphore(%run_scoped3A : memref<!tpu.dma_semaphore, #tpu.memory_space<semaphore_mem>>)
      %dma_wait3A = arith.constant 0 : i32
      %dma_wait3A_24 = arith.constant 0 : i32
      %dma_wait3A_25 = tpu.memref_slice %arg3[%add3A_7, %dma_wait3A, %dma_wait3A_24] : memref<32x32x128xi32, #tpu.memory_space<hbm>> -> memref<1x32x128xi32, #tpu.memory_space<hbm>>
      %dma_wait3A_26 = tpu.memref_squeeze %dma_wait3A_25 : memref<1x32x128xi32, #tpu.memory_space<hbm>> -> memref<32x128xi32, #tpu.memory_space<hbm>>
      %dma_wait3A_27 = arith.constant 0 : i32
      %dma_wait3A_28 = arith.constant 0 : i32
      %dma_wait3A_29 = tpu.memref_slice %arg3[%add3A_7, %dma_wait3A_27, %dma_wait3A_28] : memref<32x32x128xi32, #tpu.memory_space<hbm>> -> memref<1x32x128xi32, #tpu.memory_space<hbm>>
      %dma_wait3A_30 = tpu.memref_squeeze %dma_wait3A_29 : memref<1x32x128xi32, #tpu.memory_space<hbm>> -> memref<32x128xi32, #tpu.memory_space<hbm>>
      tpu.wait_dma2 semaphore(%run_scoped3A : memref<!tpu.dma_semaphore, #tpu.memory_space<semaphore_mem>>) src(%dma_wait3A_30 : memref<32x128xi32, #tpu.memory_space<hbm>>) dst(%arg5 : memref<32x128xi32, #tpu.memory_space<vmem>>)
      tpu.yield
    }) : () -> ()
    %scan3A = arith.constant 0 : i32
    %scan3A_8 = arith.constant 30 : i32
    %scan3A_9 = arith.addi %scan3A, %scan3A_8 : i32
    %scan3A_10 = arith.constant 1 : i32
    scf.for %scan3A_17 = %scan3A to %scan3A_9 step %scan3A_10  : i32 {
      %mul3A_18 = arith.constant 1 : i32
      %mul3A_19 = arith.muli %scan3A_17, %mul3A_18 : i32
      %add3A_20 = arith.constant 0 : i32
      %add3A_21 = arith.addi %add3A_20, %mul3A_19 : i32
      %lt3A = arith.cmpi slt, %add3A_21, %sub3A_1 : i32
      %convert_element_type3A = arith.extui %lt3A : i1 to i32
      %cond3A = arith.constant 0 : i32
      %cond3A_22 = arith.cmpi ne, %convert_element_type3A, %cond3A : i32
      scf.if %cond3A_22 {
        %mul3A_23 = arith.constant 128 : i32
        %mul3A_24 = arith.muli %add3A_21, %mul3A_23 : i32
        %dma_start3A = arith.constant 0 : i32
        %dma_start3A_25 = tpu.memref_slice %arg6[%mul3A_24, %dma_start3A] : memref<3840x32xf32, #tpu.memory_space<vmem>> -> memref<128x32xf32, #tpu.memory_space<vmem>>
        %dma_start3A_26 = arith.constant 0 : i32
        %dma_start3A_27 = tpu.memref_slice %arg5[%add3A_21, %dma_start3A_26] : memref<32x128xi32, #tpu.memory_space<vmem>> -> memref<1x128xi32, #tpu.memory_space<vmem>>
        %dma_start3A_28 = tpu.memref_squeeze %dma_start3A_27 : memref<1x128xi32, #tpu.memory_space<vmem>> -> memref<128xi32, #tpu.memory_space<vmem>>
        %dma_start3A_29 = arith.constant 0 : i32
        %dma_start3A_30 = arith.constant 0 : i32
        %dma_start3A_31 = tpu.memref_slice %arg2[%dma_start3A_29, %dma_start3A_30] : memref<20000x32xf32, #tpu.memory_space<hbm>> -> memref<20000x32xf32, #tpu.memory_space<hbm>>
        tpu.enqueue_indirect_dma source(%dma_start3A_31 : memref<20000x32xf32, #tpu.memory_space<hbm>>) target(%dma_start3A_25 : memref<128x32xf32, #tpu.memory_space<vmem>>) offsets(%dma_start3A_28 : memref<128xi32, #tpu.memory_space<vmem>>) semaphore(%arg7 : memref<!tpu.dma_semaphore, #tpu.memory_space<semaphore_mem>>)
      } else {
      }
    }
    %scan3A_11 = arith.constant 30 : i32
    %scan3A_12 = arith.constant 0 : i32
    %scan3A_13 = arith.constant 30 : i32
    %scan3A_14 = arith.addi %scan3A_12, %scan3A_13 : i32
    %scan3A_15 = arith.constant 1 : i32
    scf.for %scan3A_17 = %scan3A_12 to %scan3A_14 step %scan3A_15  : i32 {
      %mul3A_18 = arith.constant 1 : i32
      %mul3A_19 = arith.muli %scan3A_17, %mul3A_18 : i32
      %add3A_20 = arith.constant 0 : i32
      %add3A_21 = arith.addi %add3A_20, %mul3A_19 : i32
      %lt3A = arith.cmpi slt, %add3A_21, %sub3A_1 : i32
      %convert_element_type3A = arith.extui %lt3A : i1 to i32
      %cond3A = arith.constant 0 : i32
      %cond3A_22 = arith.cmpi ne, %convert_element_type3A, %cond3A : i32
      scf.if %cond3A_22 {
        %mul3A_23 = arith.constant 128 : i32
        %mul3A_24 = arith.muli %add3A_21, %mul3A_23 : i32
        %dma_wait3A = arith.constant 0 : i32
        %dma_wait3A_25 = tpu.memref_slice %arg6[%mul3A_24, %dma_wait3A] : memref<3840x32xf32, #tpu.memory_space<vmem>> -> memref<128x32xf32, #tpu.memory_space<vmem>>
        %dma_wait3A_26 = arith.constant 0 : i32
        %dma_wait3A_27 = tpu.memref_slice %arg5[%add3A_21, %dma_wait3A_26] : memref<32x128xi32, #tpu.memory_space<vmem>> -> memref<1x128xi32, #tpu.memory_space<vmem>>
        %dma_wait3A_28 = tpu.memref_squeeze %dma_wait3A_27 : memref<1x128xi32, #tpu.memory_space<vmem>> -> memref<128xi32, #tpu.memory_space<vmem>>
        %dma_wait3A_29 = arith.constant 0 : i32
        %dma_wait3A_30 = arith.constant 0 : i32
        %dma_wait3A_31 = tpu.memref_slice %arg2[%dma_wait3A_29, %dma_wait3A_30] : memref<20000x32xf32, #tpu.memory_space<hbm>> -> memref<20000x32xf32, #tpu.memory_space<hbm>>
        tpu.wait_indirect_dma semaphore(%arg7 : memref<!tpu.dma_semaphore, #tpu.memory_space<semaphore_mem>>) src(%dma_wait3A_31 : memref<20000x32xf32, #tpu.memory_space<hbm>>) dst(%dma_wait3A_25 : memref<128x32xf32, #tpu.memory_space<vmem>>)
        %mul3A_32 = arith.constant 128 : i32
        %mul3A_33 = arith.muli %add3A_21, %mul3A_32 : i32
        %add3A_34 = arith.addi %add3A, %add3A_21 : i32
        %mul3A_35 = arith.constant 128 : i32
        %mul3A_36 = arith.muli %add3A_34, %mul3A_35 : i32
        "tpu.region"() ({
          %run_scoped3A = tpu.sem_alloc : memref<!tpu.dma_semaphore, #tpu.memory_space<semaphore_mem>>
          %dma_start3A = arith.constant 0 : i32
          %dma_start3A_37 = tpu.memref_slice %arg6[%mul3A_33, %dma_start3A] : memref<3840x32xf32, #tpu.memory_space<vmem>> -> memref<128x32xf32, #tpu.memory_space<vmem>>
          %dma_start3A_38 = arith.constant 0 : i32
          %dma_start3A_39 = tpu.memref_slice %arg4[%mul3A_36, %dma_start3A_38] : memref<102400x32xf32, #tpu.memory_space<hbm>> -> memref<128x32xf32, #tpu.memory_space<hbm>>
          %dma_start3A_40 = arith.constant 0 : i32
          %dma_start3A_41 = tpu.memref_slice %arg4[%mul3A_36, %dma_start3A_40] : memref<102400x32xf32, #tpu.memory_space<hbm>> -> memref<128x32xf32, #tpu.memory_space<hbm>>
          %dma_start3A_42 = arith.constant 0 : i32
          %dma_start3A_43 = tpu.memref_slice %arg6[%mul3A_33, %dma_start3A_42] : memref<3840x32xf32, #tpu.memory_space<vmem>> -> memref<128x32xf32, #tpu.memory_space<vmem>>
          tpu.enqueue_dma source(%dma_start3A_43 : memref<128x32xf32, #tpu.memory_space<vmem>>) target(%dma_start3A_41 : memref<128x32xf32, #tpu.memory_space<hbm>>) target_semaphore(%run_scoped3A : memref<!tpu.dma_semaphore, #tpu.memory_space<semaphore_mem>>)
          %dma_wait3A_44 = arith.constant 0 : i32
          %dma_wait3A_45 = tpu.memref_slice %arg6[%mul3A_33, %dma_wait3A_44] : memref<3840x32xf32, #tpu.memory_space<vmem>> -> memref<128x32xf32, #tpu.memory_space<vmem>>
          %dma_wait3A_46 = arith.constant 0 : i32
          %dma_wait3A_47 = tpu.memref_slice %arg4[%mul3A_36, %dma_wait3A_46] : memref<102400x32xf32, #tpu.memory_space<hbm>> -> memref<128x32xf32, #tpu.memory_space<hbm>>
          %dma_wait3A_48 = arith.constant 0 : i32
          %dma_wait3A_49 = tpu.memref_slice %arg4[%mul3A_36, %dma_wait3A_48] : memref<102400x32xf32, #tpu.memory_space<hbm>> -> memref<128x32xf32, #tpu.memory_space<hbm>>
          %dma_wait3A_50 = arith.constant 0 : i32
          %dma_wait3A_51 = tpu.memref_slice %arg6[%mul3A_33, %dma_wait3A_50] : memref<3840x32xf32, #tpu.memory_space<vmem>> -> memref<128x32xf32, #tpu.memory_space<vmem>>
          tpu.wait_dma2 semaphore(%run_scoped3A : memref<!tpu.dma_semaphore, #tpu.memory_space<semaphore_mem>>) src(%dma_wait3A_51 : memref<128x32xf32, #tpu.memory_space<vmem>>) dst(%dma_wait3A_49 : memref<128x32xf32, #tpu.memory_space<hbm>>)
          tpu.yield
        }) : () -> ()
      } else {
      }
    }
    %scan3A_16 = arith.constant 30 : i32
    return
  }
}

#map = affine_map<(d0, d1) -> (0, 0)>
#map1 = affine_map<(d0, d1) -> (0, 0, 0)>
module attributes {stable_mosaic.version = 14 : i64} {
  func.func @k(%arg0: i32, %arg1: i32, %arg2: memref<20000x16xf32, #tpu.memory_space<hbm>>, %arg3: memref<32x32x128xi32, #tpu.memory_space<hbm>>, %arg4: memref<102400x16xf32, #tpu.memory_space<hbm>>, %arg5: memref<32x128xi32, #tpu.memory_space<vmem>>, %arg6: memref<3840x16xf32, #tpu.memory_space<vmem>>, %arg7: memref<!tpu.dma_semaphore, #tpu.memory_space<semaphore_mem>>) attributes {dimension_semantics = [#tpu.dimension_semantics<core_parallel>, #tpu.dimension_semantics<subcore_parallel>], iteration_bounds = array<i64: 2, 16>, scalar_prefetch = 0 : i64, scratch_operands = 3 : i64, tpu.core_type = #tpu.core_type<sc_vector_subcore>, window_params = [{transform_indices = #map}, {transform_indices = #map1}, {transform_indices = #map}]} {
    %mul3A = arith.constant 10 : i32
    %mul3A_0 = arith.muli %mul3A, %arg0 : i32
    %sub3A = arith.constant 30 : i32
    %sub3A_1 = arith.subi %sub3A, %mul3A_0 : i32
    %mul3A_2 = arith.constant 480 : i32
    %mul3A_3 = arith.muli %arg0, %mul3A_2 : i32
    %mul3A_4 = arith.muli %arg1, %sub3A_1 : i32
    %add3A = arith.addi %mul3A_3, %mul3A_4 : i32
    %mul3A_5 = arith.constant 16 : i32
    %mul3A_6 = arith.muli %arg0, %mul3A_5 : i32
    %add3A_7 = arith.addi %mul3A_6, %arg1 : i32
    "tpu.region"() ({
      %run_scoped3A = tpu.sem_alloc : memref<!tpu.dma_semaphore, #tpu.memory_space<semaphore_mem>>
      %dma_start3A = arith.constant 0 : i32
      %dma_start3A_17 = arith.constant 0 : i32
      %dma_start3A_18 = tpu.memref_slice %arg3[%add3A_7, %dma_start3A, %dma_start3A_17] : memref<32x32x128xi32, #tpu.memory_space<hbm>> -> memref<1x32x128xi32, #tpu.memory_space<hbm>>
      %dma_start3A_19 = tpu.memref_squeeze %dma_start3A_18 : memref<1x32x128xi32, #tpu.memory_space<hbm>> -> memref<32x128xi32, #tpu.memory_space<hbm>>
      %dma_start3A_20 = arith.constant 0 : i32
      %dma_start3A_21 = arith.constant 0 : i32
      %dma_start3A_22 = tpu.memref_slice %arg3[%add3A_7, %dma_start3A_20, %dma_start3A_21] : memref<32x32x128xi32, #tpu.memory_space<hbm>> -> memref<1x32x128xi32, #tpu.memory_space<hbm>>
      %dma_start3A_23 = tpu.memref_squeeze %dma_start3A_22 : memref<1x32x128xi32, #tpu.memory_space<hbm>> -> memref<32x128xi32, #tpu.memory_space<hbm>>
      tpu.enqueue_dma source(%dma_start3A_23 : memref<32x128xi32, #tpu.memory_space<hbm>>) target(%arg5 : memref<32x128xi32, #tpu.memory_space<vmem>>) target_semaphore(%run_scoped3A : memref<!tpu.dma_semaphore, #tpu.memory_space<semaphore_mem>>)
      %dma_wait3A = arith.constant 0 : i32
      %dma_wait3A_24 = arith.constant 0 : i32
      %dma_wait3A_25 = tpu.memref_slice %arg3[%add3A_7, %dma_wait3A, %dma_wait3A_24] : memref<32x32x128xi32, #tpu.memory_space<hbm>> -> memref<1x32x128xi32, #tpu.memory_space<hbm>>
      %dma_wait3A_26 = tpu.memref_squeeze %dma_wait3A_25 : memref<1x32x128xi32, #tpu.memory_space<hbm>> -> memref<32x128xi32, #tpu.memory_space<hbm>>
      %dma_wait3A_27 = arith.constant 0 : i32
      %dma_wait3A_28 = arith.constant 0 : i32
      %dma_wait3A_29 = tpu.memref_slice %arg3[%add3A_7, %dma_wait3A_27, %dma_wait3A_28] : memref<32x32x128xi32, #tpu.memory_space<hbm>> -> memref<1x32x128xi32, #tpu.memory_space<hbm>>
      %dma_wait3A_30 = tpu.memref_squeeze %dma_wait3A_29 : memref<1x32x128xi32, #tpu.memory_space<hbm>> -> memref<32x128xi32, #tpu.memory_space<hbm>>
      tpu.wait_dma2 semaphore(%run_scoped3A : memref<!tpu.dma_semaphore, #tpu.memory_space<semaphore_mem>>) src(%dma_wait3A_30 : memref<32x128xi32, #tpu.memory_space<hbm>>) dst(%arg5 : memref<32x128xi32, #tpu.memory_space<vmem>>)
      tpu.yield
    }) : () -> ()
    %scan3A = arith.constant 0 : i32
    %scan3A_8 = arith.constant 30 : i32
    %scan3A_9 = arith.addi %scan3A, %scan3A_8 : i32
    %scan3A_10 = arith.constant 1 : i32
    scf.for %scan3A_17 = %scan3A to %scan3A_9 step %scan3A_10  : i32 {
      %mul3A_18 = arith.constant 1 : i32
      %mul3A_19 = arith.muli %scan3A_17, %mul3A_18 : i32
      %add3A_20 = arith.constant 0 : i32
      %add3A_21 = arith.addi %add3A_20, %mul3A_19 : i32
      %lt3A = arith.cmpi slt, %add3A_21, %sub3A_1 : i32
      %convert_element_type3A = arith.extui %lt3A : i1 to i32
      %cond3A = arith.constant 0 : i32
      %cond3A_22 = arith.cmpi ne, %convert_element_type3A, %cond3A : i32
      scf.if %cond3A_22 {
        %mul3A_23 = arith.constant 128 : i32
        %mul3A_24 = arith.muli %add3A_21, %mul3A_23 : i32
        %dma_start3A = arith.constant 0 : i32
        %dma_start3A_25 = tpu.memref_slice %arg6[%mul3A_24, %dma_start3A] : memref<3840x16xf32, #tpu.memory_space<vmem>> -> memref<128x16xf32, #tpu.memory_space<vmem>>
        %dma_start3A_26 = arith.constant 0 : i32
        %dma_start3A_27 = tpu.memref_slice %arg5[%add3A_21, %dma_start3A_26] : memref<32x128xi32, #tpu.memory_space<vmem>> -> memref<1x128xi32, #tpu.memory_space<vmem>>
        %dma_start3A_28 = tpu.memref_squeeze %dma_start3A_27 : memref<1x128xi32, #tpu.memory_space<vmem>> -> memref<128xi32, #tpu.memory_space<vmem>>
        %dma_start3A_29 = arith.constant 0 : i32
        %dma_start3A_30 = arith.constant 0 : i32
        %dma_start3A_31 = tpu.memref_slice %arg2[%dma_start3A_29, %dma_start3A_30] : memref<20000x16xf32, #tpu.memory_space<hbm>> -> memref<20000x16xf32, #tpu.memory_space<hbm>>
        tpu.enqueue_indirect_dma source(%dma_start3A_31 : memref<20000x16xf32, #tpu.memory_space<hbm>>) target(%dma_start3A_25 : memref<128x16xf32, #tpu.memory_space<vmem>>) offsets(%dma_start3A_28 : memref<128xi32, #tpu.memory_space<vmem>>) semaphore(%arg7 : memref<!tpu.dma_semaphore, #tpu.memory_space<semaphore_mem>>)
      } else {
      }
    }
    %scan3A_11 = arith.constant 30 : i32
    %scan3A_12 = arith.constant 0 : i32
    %scan3A_13 = arith.constant 30 : i32
    %scan3A_14 = arith.addi %scan3A_12, %scan3A_13 : i32
    %scan3A_15 = arith.constant 1 : i32
    scf.for %scan3A_17 = %scan3A_12 to %scan3A_14 step %scan3A_15  : i32 {
      %mul3A_18 = arith.constant 1 : i32
      %mul3A_19 = arith.muli %scan3A_17, %mul3A_18 : i32
      %add3A_20 = arith.constant 0 : i32
      %add3A_21 = arith.addi %add3A_20, %mul3A_19 : i32
      %lt3A = arith.cmpi slt, %add3A_21, %sub3A_1 : i32
      %convert_element_type3A = arith.extui %lt3A : i1 to i32
      %cond3A = arith.constant 0 : i32
      %cond3A_22 = arith.cmpi ne, %convert_element_type3A, %cond3A : i32
      scf.if %cond3A_22 {
        %mul3A_23 = arith.constant 128 : i32
        %mul3A_24 = arith.muli %add3A_21, %mul3A_23 : i32
        %dma_wait3A = arith.constant 0 : i32
        %dma_wait3A_25 = tpu.memref_slice %arg6[%mul3A_24, %dma_wait3A] : memref<3840x16xf32, #tpu.memory_space<vmem>> -> memref<128x16xf32, #tpu.memory_space<vmem>>
        %dma_wait3A_26 = arith.constant 0 : i32
        %dma_wait3A_27 = tpu.memref_slice %arg5[%add3A_21, %dma_wait3A_26] : memref<32x128xi32, #tpu.memory_space<vmem>> -> memref<1x128xi32, #tpu.memory_space<vmem>>
        %dma_wait3A_28 = tpu.memref_squeeze %dma_wait3A_27 : memref<1x128xi32, #tpu.memory_space<vmem>> -> memref<128xi32, #tpu.memory_space<vmem>>
        %dma_wait3A_29 = arith.constant 0 : i32
        %dma_wait3A_30 = arith.constant 0 : i32
        %dma_wait3A_31 = tpu.memref_slice %arg2[%dma_wait3A_29, %dma_wait3A_30] : memref<20000x16xf32, #tpu.memory_space<hbm>> -> memref<20000x16xf32, #tpu.memory_space<hbm>>
        tpu.wait_indirect_dma semaphore(%arg7 : memref<!tpu.dma_semaphore, #tpu.memory_space<semaphore_mem>>) src(%dma_wait3A_31 : memref<20000x16xf32, #tpu.memory_space<hbm>>) dst(%dma_wait3A_25 : memref<128x16xf32, #tpu.memory_space<vmem>>)
        %mul3A_32 = arith.constant 128 : i32
        %mul3A_33 = arith.muli %add3A_21, %mul3A_32 : i32
        %add3A_34 = arith.addi %add3A, %add3A_21 : i32
        %mul3A_35 = arith.constant 128 : i32
        %mul3A_36 = arith.muli %add3A_34, %mul3A_35 : i32
        "tpu.region"() ({
          %run_scoped3A = tpu.sem_alloc : memref<!tpu.dma_semaphore, #tpu.memory_space<semaphore_mem>>
          %dma_start3A = arith.constant 0 : i32
          %dma_start3A_37 = tpu.memref_slice %arg6[%mul3A_33, %dma_start3A] : memref<3840x16xf32, #tpu.memory_space<vmem>> -> memref<128x16xf32, #tpu.memory_space<vmem>>
          %dma_start3A_38 = arith.constant 0 : i32
          %dma_start3A_39 = tpu.memref_slice %arg4[%mul3A_36, %dma_start3A_38] : memref<102400x16xf32, #tpu.memory_space<hbm>> -> memref<128x16xf32, #tpu.memory_space<hbm>>
          %dma_start3A_40 = arith.constant 0 : i32
          %dma_start3A_41 = tpu.memref_slice %arg4[%mul3A_36, %dma_start3A_40] : memref<102400x16xf32, #tpu.memory_space<hbm>> -> memref<128x16xf32, #tpu.memory_space<hbm>>
          %dma_start3A_42 = arith.constant 0 : i32
          %dma_start3A_43 = tpu.memref_slice %arg6[%mul3A_33, %dma_start3A_42] : memref<3840x16xf32, #tpu.memory_space<vmem>> -> memref<128x16xf32, #tpu.memory_space<vmem>>
          tpu.enqueue_dma source(%dma_start3A_43 : memref<128x16xf32, #tpu.memory_space<vmem>>) target(%dma_start3A_41 : memref<128x16xf32, #tpu.memory_space<hbm>>) target_semaphore(%run_scoped3A : memref<!tpu.dma_semaphore, #tpu.memory_space<semaphore_mem>>)
          %dma_wait3A_44 = arith.constant 0 : i32
          %dma_wait3A_45 = tpu.memref_slice %arg6[%mul3A_33, %dma_wait3A_44] : memref<3840x16xf32, #tpu.memory_space<vmem>> -> memref<128x16xf32, #tpu.memory_space<vmem>>
          %dma_wait3A_46 = arith.constant 0 : i32
          %dma_wait3A_47 = tpu.memref_slice %arg4[%mul3A_36, %dma_wait3A_46] : memref<102400x16xf32, #tpu.memory_space<hbm>> -> memref<128x16xf32, #tpu.memory_space<hbm>>
          %dma_wait3A_48 = arith.constant 0 : i32
          %dma_wait3A_49 = tpu.memref_slice %arg4[%mul3A_36, %dma_wait3A_48] : memref<102400x16xf32, #tpu.memory_space<hbm>> -> memref<128x16xf32, #tpu.memory_space<hbm>>
          %dma_wait3A_50 = arith.constant 0 : i32
          %dma_wait3A_51 = tpu.memref_slice %arg6[%mul3A_33, %dma_wait3A_50] : memref<3840x16xf32, #tpu.memory_space<vmem>> -> memref<128x16xf32, #tpu.memory_space<vmem>>
          tpu.wait_dma2 semaphore(%run_scoped3A : memref<!tpu.dma_semaphore, #tpu.memory_space<semaphore_mem>>) src(%dma_wait3A_51 : memref<128x16xf32, #tpu.memory_space<vmem>>) dst(%dma_wait3A_49 : memref<128x16xf32, #tpu.memory_space<hbm>>)
          tpu.yield
        }) : () -> ()
      } else {
      }
    }
    %scan3A_16 = arith.constant 30 : i32
    return
  }
}

#map = affine_map<(d0, d1) -> (0, 0)>
#map1 = affine_map<(d0, d1) -> (0, 0, 0)>
module attributes {stable_mosaic.version = 14 : i64} {
  func.func @k(%arg0: i32, %arg1: i32, %arg2: memref<102400x32xf32, #tpu.memory_space<hbm>>, %arg3: memref<32x32x128xi32, #tpu.memory_space<hbm>>, %arg4: memref<20480x32xf32, #tpu.memory_space<hbm>>, %arg5: memref<2x20480x32xf32, #tpu.memory_space<hbm>>, %arg6: memref<32x128xi32, #tpu.memory_space<vmem>>, %arg7: memref<256x32xf32, #tpu.memory_space<vmem>>, %arg8: memref<20480x32xf32, #tpu.memory_space<vmem_shared>>, %arg9: memref<!tpu.dma_semaphore, #tpu.memory_space<semaphore_mem>>) attributes {dimension_semantics = [#tpu.dimension_semantics<core_parallel>, #tpu.dimension_semantics<subcore_parallel>], iteration_bounds = array<i64: 2, 16>, scalar_prefetch = 0 : i64, scratch_operands = 4 : i64, tpu.core_type = #tpu.core_type<sc_vector_subcore>, window_params = [{transform_indices = #map}, {transform_indices = #map1}, {transform_indices = #map}, {transform_indices = #map1}]} {
    %mul3A = arith.constant 2 : i32
    %mul3A_0 = arith.muli %arg1, %mul3A : i32
    %add3A = arith.addi %mul3A_0, %arg0 : i32
    %mul3A_1 = arith.constant 1280 : i32
    %mul3A_2 = arith.muli %arg1, %mul3A_1 : i32
    %mul3A_3 = arith.constant 1280 : i32
    %mul3A_4 = arith.muli %arg1, %mul3A_3 : i32
    "tpu.region"() ({
      %run_scoped3A = tpu.sem_alloc : memref<!tpu.dma_semaphore, #tpu.memory_space<semaphore_mem>>
      %dma_start3A_25 = arith.constant 0 : i32
      %dma_start3A_26 = tpu.memref_slice %arg8[%mul3A_4, %dma_start3A_25] : memref<20480x32xf32, #tpu.memory_space<vmem_shared>> -> memref<1280x32xf32, #tpu.memory_space<vmem_shared>>
      %dma_start3A_27 = arith.constant 0 : i32
      %dma_start3A_28 = tpu.memref_slice %arg4[%mul3A_2, %dma_start3A_27] : memref<20480x32xf32, #tpu.memory_space<hbm>> -> memref<1280x32xf32, #tpu.memory_space<hbm>>
      tpu.enqueue_dma source(%dma_start3A_28 : memref<1280x32xf32, #tpu.memory_space<hbm>>) target(%dma_start3A_26 : memref<1280x32xf32, #tpu.memory_space<vmem_shared>>) target_semaphore(%run_scoped3A : memref<!tpu.dma_semaphore, #tpu.memory_space<semaphore_mem>>)
      %dma_wait3A = arith.constant 0 : i32
      %dma_wait3A_29 = tpu.memref_slice %arg8[%mul3A_4, %dma_wait3A] : memref<20480x32xf32, #tpu.memory_space<vmem_shared>> -> memref<1280x32xf32, #tpu.memory_space<vmem_shared>>
      %dma_wait3A_30 = arith.constant 0 : i32
      %dma_wait3A_31 = tpu.memref_slice %arg4[%mul3A_2, %dma_wait3A_30] : memref<20480x32xf32, #tpu.memory_space<hbm>> -> memref<1280x32xf32, #tpu.memory_space<hbm>>
      tpu.wait_dma2 semaphore(%run_scoped3A : memref<!tpu.dma_semaphore, #tpu.memory_space<semaphore_mem>>) src(%dma_wait3A_31 : memref<1280x32xf32, #tpu.memory_space<hbm>>) dst(%dma_wait3A_29 : memref<1280x32xf32, #tpu.memory_space<vmem_shared>>)
      tpu.yield
    }) : () -> ()
    "tpu.region"() ({
      %run_scoped3A = tpu.sem_alloc : memref<!tpu.dma_semaphore, #tpu.memory_space<semaphore_mem>>
      %dma_start3A_25 = arith.constant 0 : i32
      %dma_start3A_26 = arith.constant 0 : i32
      %dma_start3A_27 = tpu.memref_slice %arg3[%add3A, %dma_start3A_25, %dma_start3A_26] : memref<32x32x128xi32, #tpu.memory_space<hbm>> -> memref<1x32x128xi32, #tpu.memory_space<hbm>>
      %dma_start3A_28 = tpu.memref_squeeze %dma_start3A_27 : memref<1x32x128xi32, #tpu.memory_space<hbm>> -> memref<32x128xi32, #tpu.memory_space<hbm>>
      %dma_start3A_29 = arith.constant 0 : i32
      %dma_start3A_30 = arith.constant 0 : i32
      %dma_start3A_31 = tpu.memref_slice %arg3[%add3A, %dma_start3A_29, %dma_start3A_30] : memref<32x32x128xi32, #tpu.memory_space<hbm>> -> memref<1x32x128xi32, #tpu.memory_space<hbm>>
      %dma_start3A_32 = tpu.memref_squeeze %dma_start3A_31 : memref<1x32x128xi32, #tpu.memory_space<hbm>> -> memref<32x128xi32, #tpu.memory_space<hbm>>
      tpu.enqueue_dma source(%dma_start3A_32 : memref<32x128xi32, #tpu.memory_space<hbm>>) target(%arg6 : memref<32x128xi32, #tpu.memory_space<vmem>>) target_semaphore(%run_scoped3A : memref<!tpu.dma_semaphore, #tpu.memory_space<semaphore_mem>>)
      %dma_wait3A = arith.constant 0 : i32
      %dma_wait3A_33 = arith.constant 0 : i32
      %dma_wait3A_34 = tpu.memref_slice %arg3[%add3A, %dma_wait3A, %dma_wait3A_33] : memref<32x32x128xi32, #tpu.memory_space<hbm>> -> memref<1x32x128xi32, #tpu.memory_space<hbm>>
      %dma_wait3A_35 = tpu.memref_squeeze %dma_wait3A_34 : memref<1x32x128xi32, #tpu.memory_space<hbm>> -> memref<32x128xi32, #tpu.memory_space<hbm>>
      %dma_wait3A_36 = arith.constant 0 : i32
      %dma_wait3A_37 = arith.constant 0 : i32
      %dma_wait3A_38 = tpu.memref_slice %arg3[%add3A, %dma_wait3A_36, %dma_wait3A_37] : memref<32x32x128xi32, #tpu.memory_space<hbm>> -> memref<1x32x128xi32, #tpu.memory_space<hbm>>
      %dma_wait3A_39 = tpu.memref_squeeze %dma_wait3A_38 : memref<1x32x128xi32, #tpu.memory_space<hbm>> -> memref<32x128xi32, #tpu.memory_space<hbm>>
      tpu.wait_dma2 semaphore(%run_scoped3A : memref<!tpu.dma_semaphore, #tpu.memory_space<semaphore_mem>>) src(%dma_wait3A_39 : memref<32x128xi32, #tpu.memory_space<hbm>>) dst(%arg6 : memref<32x128xi32, #tpu.memory_space<vmem>>)
      tpu.yield
    }) : () -> ()
    %barrier3A = arith.constant 0 : index
    tpu.barrier barrier_id(%barrier3A)
    %mul3A_5 = arith.constant 3200 : i32
    %mul3A_6 = arith.muli %add3A, %mul3A_5 : i32
    %dma_start3A = arith.constant 0 : i32
    %dma_start3A_7 = arith.constant 0 : i32
    %dma_start3A_8 = tpu.memref_slice %arg7[%dma_start3A, %dma_start3A_7] : memref<256x32xf32, #tpu.memory_space<vmem>> -> memref<128x32xf32, #tpu.memory_space<vmem>>
    %dma_start3A_9 = arith.constant 0 : i32
    %dma_start3A_10 = tpu.memref_slice %arg2[%mul3A_6, %dma_start3A_9] : memref<102400x32xf32, #tpu.memory_space<hbm>> -> memref<128x32xf32, #tpu.memory_space<hbm>>
    %dma_start3A_11 = arith.constant 0 : i32
    %dma_start3A_12 = arith.constant 0 : i32
    %dma_start3A_13 = tpu.memref_slice %arg7[%dma_start3A_11, %dma_start3A_12] : memref<256x32xf32, #tpu.memory_space<vmem>> -> memref<128x32xf32, #tpu.memory_space<vmem>>
    %dma_start3A_14 = arith.constant 0 : i32
    %dma_start3A_15 = tpu.memref_slice %arg2[%mul3A_6, %dma_start3A_14] : memref<102400x32xf32, #tpu.memory_space<hbm>> -> memref<128x32xf32, #tpu.memory_space<hbm>>
    tpu.enqueue_dma source(%dma_start3A_15 : memref<128x32xf32, #tpu.memory_space<hbm>>) target(%dma_start3A_13 : memref<128x32xf32, #tpu.memory_space<vmem>>) target_semaphore(%arg9 : memref<!tpu.dma_semaphore, #tpu.memory_space<semaphore_mem>>)
    %scan3A = arith.constant 0 : i32
    %scan3A_16 = arith.constant 25 : i32
    %scan3A_17 = arith.addi %scan3A, %scan3A_16 : i32
    %scan3A_18 = arith.constant 1 : i32
    scf.for %scan3A_25 = %scan3A to %scan3A_17 step %scan3A_18  : i32 {
      %mul3A_26 = arith.constant 1 : i32
      %mul3A_27 = arith.muli %scan3A_25, %mul3A_26 : i32
      %add3A_28 = arith.constant 0 : i32
      %add3A_29 = arith.addi %add3A_28, %mul3A_27 : i32
      %jit3A = arith.constant 2 : i32
      %eq3A = arith.constant 0 : i32
      %eq3A_30 = arith.cmpi eq, %jit3A, %eq3A : i32
      %jit3A_31 = arith.constant 1 : i32
      %select_n3A = arith.select %eq3A_30, %jit3A_31, %jit3A : i32
      %rem3A = arith.remsi %add3A_29, %select_n3A : i32
      %ne3A = arith.constant 0 : i32
      %ne3A_32 = arith.cmpi ne, %rem3A, %ne3A : i32
      %lt3A = arith.constant 0 : i32
      %lt3A_33 = arith.cmpi slt, %rem3A, %lt3A : i32
      %lt3A_34 = arith.constant 0 : i32
      %lt3A_35 = arith.cmpi slt, %select_n3A, %lt3A_34 : i32
      %ne3A_36 = arith.xori %lt3A_33, %lt3A_35 : i1
      %and3A = arith.andi %ne3A_36, %ne3A_32 : i1
      %add3A_37 = arith.addi %rem3A, %select_n3A : i32
      %select_n3A_38 = arith.select %and3A, %add3A_37, %rem3A : i32
      %mul3A_39 = arith.constant 128 : i32
      %mul3A_40 = arith.muli %select_n3A_38, %mul3A_39 : i32
      %add3A_41 = arith.constant 1 : i32
      %add3A_42 = arith.addi %add3A_29, %add3A_41 : i32
      %lt3A_43 = arith.constant 25 : i32
      %lt3A_44 = arith.cmpi slt, %add3A_42, %lt3A_43 : i32
      %convert_element_type3A = arith.extui %lt3A_44 : i1 to i32
      %cond3A = arith.constant 0 : i32
      %cond3A_45 = arith.cmpi ne, %convert_element_type3A, %cond3A : i32
      scf.if %cond3A_45 {
        %mul3A_58 = arith.constant 3200 : i32
        %mul3A_59 = arith.muli %add3A, %mul3A_58 : i32
        %mul3A_60 = arith.constant 128 : i32
        %mul3A_61 = arith.muli %add3A_42, %mul3A_60 : i32
        %add3A_62 = arith.addi %mul3A_59, %mul3A_61 : i32
        %jit3A_63 = arith.constant 2 : i32
        %eq3A_64 = arith.constant 0 : i32
        %eq3A_65 = arith.cmpi eq, %jit3A_63, %eq3A_64 : i32
        %jit3A_66 = arith.constant 1 : i32
        %select_n3A_67 = arith.select %eq3A_65, %jit3A_66, %jit3A_63 : i32
        %rem3A_68 = arith.remsi %add3A_42, %select_n3A_67 : i32
        %ne3A_69 = arith.constant 0 : i32
        %ne3A_70 = arith.cmpi ne, %rem3A_68, %ne3A_69 : i32
        %lt3A_71 = arith.constant 0 : i32
        %lt3A_72 = arith.cmpi slt, %rem3A_68, %lt3A_71 : i32
        %lt3A_73 = arith.constant 0 : i32
        %lt3A_74 = arith.cmpi slt, %select_n3A_67, %lt3A_73 : i32
        %ne3A_75 = arith.xori %lt3A_72, %lt3A_74 : i1
        %and3A_76 = arith.andi %ne3A_75, %ne3A_70 : i1
        %add3A_77 = arith.addi %rem3A_68, %select_n3A_67 : i32
        %select_n3A_78 = arith.select %and3A_76, %add3A_77, %rem3A_68 : i32
        %mul3A_79 = arith.constant 128 : i32
        %mul3A_80 = arith.muli %select_n3A_78, %mul3A_79 : i32
        %dma_start3A_81 = arith.constant 0 : i32
        %dma_start3A_82 = tpu.memref_slice %arg7[%mul3A_80, %dma_start3A_81] : memref<256x32xf32, #tpu.memory_space<vmem>> -> memref<128x32xf32, #tpu.memory_space<vmem>>
        %dma_start3A_83 = arith.constant 0 : i32
        %dma_start3A_84 = tpu.memref_slice %arg2[%add3A_62, %dma_start3A_83] : memref<102400x32xf32, #tpu.memory_space<hbm>> -> memref<128x32xf32, #tpu.memory_space<hbm>>
        %dma_start3A_85 = arith.constant 0 : i32
        %dma_start3A_86 = tpu.memref_slice %arg7[%mul3A_80, %dma_start3A_85] : memref<256x32xf32, #tpu.memory_space<vmem>> -> memref<128x32xf32, #tpu.memory_space<vmem>>
        %dma_start3A_87 = arith.constant 0 : i32
        %dma_start3A_88 = tpu.memref_slice %arg2[%add3A_62, %dma_start3A_87] : memref<102400x32xf32, #tpu.memory_space<hbm>> -> memref<128x32xf32, #tpu.memory_space<hbm>>
        tpu.enqueue_dma source(%dma_start3A_88 : memref<128x32xf32, #tpu.memory_space<hbm>>) target(%dma_start3A_86 : memref<128x32xf32, #tpu.memory_space<vmem>>) target_semaphore(%arg9 : memref<!tpu.dma_semaphore, #tpu.memory_space<semaphore_mem>>)
      } else {
      }
      %mul3A_46 = arith.constant 3200 : i32
      %mul3A_47 = arith.muli %add3A, %mul3A_46 : i32
      %mul3A_48 = arith.constant 128 : i32
      %mul3A_49 = arith.muli %add3A_29, %mul3A_48 : i32
      %add3A_50 = arith.addi %mul3A_47, %mul3A_49 : i32
      %dma_wait3A = arith.constant 0 : i32
      %dma_wait3A_51 = tpu.memref_slice %arg7[%mul3A_40, %dma_wait3A] : memref<256x32xf32, #tpu.memory_space<vmem>> -> memref<128x32xf32, #tpu.memory_space<vmem>>
      %dma_wait3A_52 = arith.constant 0 : i32
      %dma_wait3A_53 = tpu.memref_slice %arg2[%add3A_50, %dma_wait3A_52] : memref<102400x32xf32, #tpu.memory_space<hbm>> -> memref<128x32xf32, #tpu.memory_space<hbm>>
      %dma_wait3A_54 = arith.constant 0 : i32
      %dma_wait3A_55 = tpu.memref_slice %arg7[%mul3A_40, %dma_wait3A_54] : memref<256x32xf32, #tpu.memory_space<vmem>> -> memref<128x32xf32, #tpu.memory_space<vmem>>
      %dma_wait3A_56 = arith.constant 0 : i32
      %dma_wait3A_57 = tpu.memref_slice %arg2[%add3A_50, %dma_wait3A_56] : memref<102400x32xf32, #tpu.memory_space<hbm>> -> memref<128x32xf32, #tpu.memory_space<hbm>>
      tpu.wait_dma2 semaphore(%arg9 : memref<!tpu.dma_semaphore, #tpu.memory_space<semaphore_mem>>) src(%dma_wait3A_57 : memref<128x32xf32, #tpu.memory_space<hbm>>) dst(%dma_wait3A_55 : memref<128x32xf32, #tpu.memory_space<vmem>>)
      "tpu.region"() ({
        %run_scoped3A = tpu.sem_alloc : memref<!tpu.dma_semaphore, #tpu.memory_space<semaphore_mem>>
        %dma_start3A_58 = arith.constant 0 : i32
        %dma_start3A_59 = tpu.memref_slice %arg7[%mul3A_40, %dma_start3A_58] : memref<256x32xf32, #tpu.memory_space<vmem>> -> memref<128x32xf32, #tpu.memory_space<vmem>>
        %dma_start3A_60 = arith.constant 0 : i32
        %dma_start3A_61 = tpu.memref_slice %arg6[%add3A_29, %dma_start3A_60] : memref<32x128xi32, #tpu.memory_space<vmem>> -> memref<1x128xi32, #tpu.memory_space<vmem>>
        %dma_start3A_62 = tpu.memref_squeeze %dma_start3A_61 : memref<1x128xi32, #tpu.memory_space<vmem>> -> memref<128xi32, #tpu.memory_space<vmem>>
        %dma_start3A_63 = arith.constant 0 : i32
        %dma_start3A_64 = arith.constant 0 : i32
        %dma_start3A_65 = tpu.memref_slice %arg8[%dma_start3A_63, %dma_start3A_64] : memref<20480x32xf32, #tpu.memory_space<vmem_shared>> -> memref<20480x32xf32, #tpu.memory_space<vmem_shared>>
        tpu.enqueue_indirect_dma source(%dma_start3A_59 : memref<128x32xf32, #tpu.memory_space<vmem>>) target(%dma_start3A_65 : memref<20480x32xf32, #tpu.memory_space<vmem_shared>>) offsets(%dma_start3A_62 : memref<128xi32, #tpu.memory_space<vmem>>) semaphore(%run_scoped3A : memref<!tpu.dma_semaphore, #tpu.memory_space<semaphore_mem>>) {add = true}
        %dma_wait3A_66 = arith.constant 0 : i32
        %dma_wait3A_67 = tpu.memref_slice %arg7[%mul3A_40, %dma_wait3A_66] : memref<256x32xf32, #tpu.memory_space<vmem>> -> memref<128x32xf32, #tpu.memory_space<vmem>>
        %dma_wait3A_68 = arith.constant 0 : i32
        %dma_wait3A_69 = tpu.memref_slice %arg6[%add3A_29, %dma_wait3A_68] : memref<32x128xi32, #tpu.memory_space<vmem>> -> memref<1x128xi32, #tpu.memory_space<vmem>>
        %dma_wait3A_70 = tpu.memref_squeeze %dma_wait3A_69 : memref<1x128xi32, #tpu.memory_space<vmem>> -> memref<128xi32, #tpu.memory_space<vmem>>
        %dma_wait3A_71 = arith.constant 0 : i32
        %dma_wait3A_72 = arith.constant 0 : i32
        %dma_wait3A_73 = tpu.memref_slice %arg8[%dma_wait3A_71, %dma_wait3A_72] : memref<20480x32xf32, #tpu.memory_space<vmem_shared>> -> memref<20480x32xf32, #tpu.memory_space<vmem_shared>>
        tpu.wait_indirect_dma semaphore(%run_scoped3A : memref<!tpu.dma_semaphore, #tpu.memory_space<semaphore_mem>>) src(%dma_wait3A_67 : memref<128x32xf32, #tpu.memory_space<vmem>>) dst(%dma_wait3A_73 : memref<20480x32xf32, #tpu.memory_space<vmem_shared>>)
        tpu.yield
      }) : () -> ()
    }
    %scan3A_19 = arith.constant 25 : i32
    %barrier3A_20 = arith.constant 0 : index
    tpu.barrier barrier_id(%barrier3A_20)
    %mul3A_21 = arith.constant 1280 : i32
    %mul3A_22 = arith.muli %arg1, %mul3A_21 : i32
    %mul3A_23 = arith.constant 1280 : i32
    %mul3A_24 = arith.muli %arg1, %mul3A_23 : i32
    "tpu.region"() ({
      %run_scoped3A = tpu.sem_alloc : memref<!tpu.dma_semaphore, #tpu.memory_space<semaphore_mem>>
      %dma_start3A_25 = arith.constant 0 : i32
      %dma_start3A_26 = tpu.memref_slice %arg5[%arg0, %mul3A_24, %dma_start3A_25] : memref<2x20480x32xf32, #tpu.memory_space<hbm>> -> memref<1x1280x32xf32, #tpu.memory_space<hbm>>
      %dma_start3A_27 = tpu.memref_squeeze %dma_start3A_26 : memref<1x1280x32xf32, #tpu.memory_space<hbm>> -> memref<1280x32xf32, #tpu.memory_space<hbm>>
      %dma_start3A_28 = arith.constant 0 : i32
      %dma_start3A_29 = tpu.memref_slice %arg8[%mul3A_22, %dma_start3A_28] : memref<20480x32xf32, #tpu.memory_space<vmem_shared>> -> memref<1280x32xf32, #tpu.memory_space<vmem_shared>>
      tpu.enqueue_dma source(%dma_start3A_29 : memref<1280x32xf32, #tpu.memory_space<vmem_shared>>) target(%dma_start3A_27 : memref<1280x32xf32, #tpu.memory_space<hbm>>) target_semaphore(%run_scoped3A : memref<!tpu.dma_semaphore, #tpu.memory_space<semaphore_mem>>)
      %dma_wait3A = arith.constant 0 : i32
      %dma_wait3A_30 = tpu.memref_slice %arg5[%arg0, %mul3A_24, %dma_wait3A] : memref<2x20480x32xf32, #tpu.memory_space<hbm>> -> memref<1x1280x32xf32, #tpu.memory_space<hbm>>
      %dma_wait3A_31 = tpu.memref_squeeze %dma_wait3A_30 : memref<1x1280x32xf32, #tpu.memory_space<hbm>> -> memref<1280x32xf32, #tpu.memory_space<hbm>>
      %dma_wait3A_32 = arith.constant 0 : i32
      %dma_wait3A_33 = tpu.memref_slice %arg8[%mul3A_22, %dma_wait3A_32] : memref<20480x32xf32, #tpu.memory_space<vmem_shared>> -> memref<1280x32xf32, #tpu.memory_space<vmem_shared>>
      tpu.wait_dma2 semaphore(%run_scoped3A : memref<!tpu.dma_semaphore, #tpu.memory_space<semaphore_mem>>) src(%dma_wait3A_33 : memref<1280x32xf32, #tpu.memory_space<vmem_shared>>) dst(%dma_wait3A_31 : memref<1280x32xf32, #tpu.memory_space<hbm>>)
      tpu.yield
    }) : () -> ()
    return
  }
}

module attributes {stable_mosaic.version = 14 : i64} {
  func.func @body(%arg0: i32, %arg1: memref<640x128xf32, #tpu.memory_space<vmem>>, %arg2: memref<640x128xf32, #tpu.memory_space<vmem>>, %arg3: memref<128x256xf32, #tpu.memory_space<vmem>>, %arg4: memref<1x256xf32, #tpu.memory_space<vmem>>, %arg5: memref<256x4096xf32, #tpu.memory_space<vmem>>, %arg6: memref<1x4096xf32, #tpu.memory_space<vmem>>, %arg7: memref<128x4096xf32, #tpu.memory_space<vmem>>, %arg8: memref<1024x256xf32, #tpu.memory_space<vmem>>, %arg9: memref<640x256xf32, #tpu.memory_space<vmem>>) attributes {dimension_semantics = [#tpu.dimension_semantics<parallel>], iteration_bounds = array<i64: 20>, scalar_prefetch = 0 : i64, scratch_operands = 0 : i64, tpu.core_type = #tpu.core_type<tc>, window_params = [{transform_indices = @transform_0, window_bounds = array<i64: 640, 128>}, {transform_indices = @transform_1, window_bounds = array<i64: 640, 128>}, {pipeline_mode = #tpu.pipeline_mode<synchronous>, transform_indices = @transform_2, window_bounds = array<i64: 128, 256>}, {pipeline_mode = #tpu.pipeline_mode<synchronous>, transform_indices = @transform_3, window_bounds = array<i64: 1, 256>}, {pipeline_mode = #tpu.pipeline_mode<synchronous>, transform_indices = @transform_4, window_bounds = array<i64: 256, 4096>}, {pipeline_mode = #tpu.pipeline_mode<synchronous>, transform_indices = @transform_5, window_bounds = array<i64: 1, 4096>}, {pipeline_mode = #tpu.pipeline_mode<synchronous>, transform_indices = @transform_6, window_bounds = array<i64: 128, 4096>}, {pipeline_mode = #tpu.pipeline_mode<synchronous>, transform_indices = @transform_7, window_bounds = array<i64: 1024, 256>}, {transform_indices = @transform_8, window_bounds = array<i64: 640, 256>}]} {
    %get3A = arith.constant 0 : index
    %get3A_0 = arith.constant 0 : index
    %get3A_1 = vector.load %arg1[%get3A, %get3A_0] : memref<640x128xf32, #tpu.memory_space<vmem>>, vector<640x128xf32>
    %get3A_2 = arith.constant 0 : index
    %get3A_3 = arith.constant 0 : index
    %get3A_4 = vector.load %arg3[%get3A_2, %get3A_3] : memref<128x256xf32, #tpu.memory_space<vmem>>, vector<128x256xf32>
    %dot_general3A = arith.constant dense<0.000000e+00> : vector<640x256xf32>
    %dot_general3A_5 = tpu.matmul %get3A_1, %get3A_4, %dot_general3A {dimension_numbers = #tpu.dot_dimension_numbers<[1], [0], [0], [1], [0, 0, 1, 1], [], []>, transpose_lhs_hint = false} : vector<640x128xf32>, vector<128x256xf32>, vector<640x256xf32> -> vector<640x256xf32>
    %get3A_6 = arith.constant 0 : index
    %get3A_7 = arith.constant 0 : index
    %get3A_8 = vector.load %arg4[%get3A_6, %get3A_7] : memref<1x256xf32, #tpu.memory_space<vmem>>, vector<1x256xf32>
    %add3A = vector.broadcast %get3A_8 : vector<1x256xf32> to vector<640x256xf32>
    %add3A_9 = arith.addf %dot_general3A_5, %add3A : vector<640x256xf32>
    %max3A = arith.constant 0.000000e+00 : f32
    %max3A_10 = vector.broadcast %max3A : f32 to vector<640x256xf32>
    %max3A_11 = arith.maximumf %add3A_9, %max3A_10 : vector<640x256xf32>
    %get3A_12 = arith.constant 0 : index
    %get3A_13 = arith.constant 0 : index
    %get3A_14 = vector.load %arg5[%get3A_12, %get3A_13] : memref<256x4096xf32, #tpu.memory_space<vmem>>, vector<256x4096xf32>
    %dot_general3A_15 = arith.constant dense<0.000000e+00> : vector<640x4096xf32>
    %dot_general3A_16 = tpu.matmul %max3A_11, %get3A_14, %dot_general3A_15 {dimension_numbers = #tpu.dot_dimension_numbers<[1], [0], [0], [1], [0, 0, 1, 1], [], []>, transpose_lhs_hint = false} : vector<640x256xf32>, vector<256x4096xf32>, vector<640x4096xf32> -> vector<640x4096xf32>
    %get3A_17 = arith.constant 0 : index
    %get3A_18 = arith.constant 0 : index
    %get3A_19 = vector.load %arg6[%get3A_17, %get3A_18] : memref<1x4096xf32, #tpu.memory_space<vmem>>, vector<1x4096xf32>
    %add3A_20 = vector.broadcast %get3A_19 : vector<1x4096xf32> to vector<640x4096xf32>
    %add3A_21 = arith.addf %dot_general3A_16, %add3A_20 : vector<640x4096xf32>
    %get3A_22 = arith.constant 0 : index
    %get3A_23 = arith.constant 0 : index
    %get3A_24 = vector.load %arg2[%get3A_22, %get3A_23] : memref<640x128xf32, #tpu.memory_space<vmem>>, vector<640x128xf32>
    %get3A_25 = arith.constant 0 : index
    %get3A_26 = arith.constant 0 : index
    %get3A_27 = vector.load %arg7[%get3A_25, %get3A_26] : memref<128x4096xf32, #tpu.memory_space<vmem>>, vector<128x4096xf32>
    %dot_general3A_28 = arith.constant dense<0.000000e+00> : vector<640x4096xf32>
    %dot_general3A_29 = tpu.matmul %get3A_24, %get3A_27, %dot_general3A_28 {dimension_numbers = #tpu.dot_dimension_numbers<[1], [0], [0], [1], [0, 0, 1, 1], [], []>, transpose_lhs_hint = false} : vector<640x128xf32>, vector<128x4096xf32>, vector<640x4096xf32> -> vector<640x4096xf32>
    %mul3A = arith.mulf %dot_general3A_29, %add3A_21 : vector<640x4096xf32>
    %slice3A = vector.extract_strided_slice %mul3A {offsets = [0, 0], sizes = [640, 128], strides = [1, 1]} : vector<640x4096xf32> to vector<640x128xf32>
    %slice3A_30 = vector.extract_strided_slice %mul3A {offsets = [0, 128], sizes = [640, 128], strides = [1, 1]} : vector<640x4096xf32> to vector<640x128xf32>
    %add3A_31 = arith.addf %slice3A, %slice3A_30 : vector<640x128xf32>
    %slice3A_32 = vector.extract_strided_slice %mul3A {offsets = [0, 256], sizes = [640, 128], strides = [1, 1]} : vector<640x4096xf32> to vector<640x128xf32>
    %add3A_33 = arith.addf %add3A_31, %slice3A_32 : vector<640x128xf32>
    %slice3A_34 = vector.extract_strided_slice %mul3A {offsets = [0, 384], sizes = [640, 128], strides = [1, 1]} : vector<640x4096xf32> to vector<640x128xf32>
    %add3A_35 = arith.addf %add3A_33, %slice3A_34 : vector<640x128xf32>
    %slice3A_36 = vector.extract_strided_slice %mul3A {offsets = [0, 512], sizes = [640, 128], strides = [1, 1]} : vector<640x4096xf32> to vector<640x128xf32>
    %slice3A_37 = vector.extract_strided_slice %mul3A {offsets = [0, 640], sizes = [640, 128], strides = [1, 1]} : vector<640x4096xf32> to vector<640x128xf32>
    %add3A_38 = arith.addf %slice3A_36, %slice3A_37 : vector<640x128xf32>
    %slice3A_39 = vector.extract_strided_slice %mul3A {offsets = [0, 768], sizes = [640, 128], strides = [1, 1]} : vector<640x4096xf32> to vector<640x128xf32>
    %add3A_40 = arith.addf %add3A_38, %slice3A_39 : vector<640x128xf32>
    %slice3A_41 = vector.extract_strided_slice %mul3A {offsets = [0, 896], sizes = [640, 128], strides = [1, 1]} : vector<640x4096xf32> to vector<640x128xf32>
    %add3A_42 = arith.addf %add3A_40, %slice3A_41 : vector<640x128xf32>
    %slice3A_43 = vector.extract_strided_slice %mul3A {offsets = [0, 1024], sizes = [640, 128], strides = [1, 1]} : vector<640x4096xf32> to vector<640x128xf32>
    %slice3A_44 = vector.extract_strided_slice %mul3A {offsets = [0, 1152], sizes = [640, 128], strides = [1, 1]} : vector<640x4096xf32> to vector<640x128xf32>
    %add3A_45 = arith.addf %slice3A_43, %slice3A_44 : vector<640x128xf32>
    %slice3A_46 = vector.extract_strided_slice %mul3A {offsets = [0, 1280], sizes = [640, 128], strides = [1, 1]} : vector<640x4096xf32> to vector<640x128xf32>
    %add3A_47 = arith.addf %add3A_45, %slice3A_46 : vector<640x128xf32>
    %slice3A_48 = vector.extract_strided_slice %mul3A {offsets = [0, 1408], sizes = [640, 128], strides = [1, 1]} : vector<640x4096xf32> to vector<640x128xf32>
    %add3A_49 = arith.addf %add3A_47, %slice3A_48 : vector<640x128xf32>
    %slice3A_50 = vector.extract_strided_slice %mul3A {offsets = [0, 1536], sizes = [640, 128], strides = [1, 1]} : vector<640x4096xf32> to vector<640x128xf32>
    %slice3A_51 = vector.extract_strided_slice %mul3A {offsets = [0, 1664], sizes = [640, 128], strides = [1, 1]} : vector<640x4096xf32> to vector<640x128xf32>
    %add3A_52 = arith.addf %slice3A_50, %slice3A_51 : vector<640x128xf32>
    %slice3A_53 = vector.extract_strided_slice %mul3A {offsets = [0, 1792], sizes = [640, 128], strides = [1, 1]} : vector<640x4096xf32> to vector<640x128xf32>
    %add3A_54 = arith.addf %add3A_52, %slice3A_53 : vector<640x128xf32>
    %slice3A_55 = vector.extract_strided_slice %mul3A {offsets = [0, 1920], sizes = [640, 128], strides = [1, 1]} : vector<640x4096xf32> to vector<640x128xf32>
    %add3A_56 = arith.addf %add3A_54, %slice3A_55 : vector<640x128xf32>
    %slice3A_57 = vector.extract_strided_slice %mul3A {offsets = [0, 2048], sizes = [640, 128], strides = [1, 1]} : vector<640x4096xf32> to vector<640x128xf32>
    %slice3A_58 = vector.extract_strided_slice %mul3A {offsets = [0, 2176], sizes = [640, 128], strides = [1, 1]} : vector<640x4096xf32> to vector<640x128xf32>
    %add3A_59 = arith.addf %slice3A_57, %slice3A_58 : vector<640x128xf32>
    %slice3A_60 = vector.extract_strided_slice %mul3A {offsets = [0, 2304], sizes = [640, 128], strides = [1, 1]} : vector<640x4096xf32> to vector<640x128xf32>
    %add3A_61 = arith.addf %add3A_59, %slice3A_60 : vector<640x128xf32>
    %slice3A_62 = vector.extract_strided_slice %mul3A {offsets = [0, 2432], sizes = [640, 128], strides = [1, 1]} : vector<640x4096xf32> to vector<640x128xf32>
    %add3A_63 = arith.addf %add3A_61, %slice3A_62 : vector<640x128xf32>
    %slice3A_64 = vector.extract_strided_slice %mul3A {offsets = [0, 2560], sizes = [640, 128], strides = [1, 1]} : vector<640x4096xf32> to vector<640x128xf32>
    %slice3A_65 = vector.extract_strided_slice %mul3A {offsets = [0, 2688], sizes = [640, 128], strides = [1, 1]} : vector<640x4096xf32> to vector<640x128xf32>
    %add3A_66 = arith.addf %slice3A_64, %slice3A_65 : vector<640x128xf32>
    %slice3A_67 = vector.extract_strided_slice %mul3A {offsets = [0, 2816], sizes = [640, 128], strides = [1, 1]} : vector<640x4096xf32> to vector<640x128xf32>
    %add3A_68 = arith.addf %add3A_66, %slice3A_67 : vector<640x128xf32>
    %slice3A_69 = vector.extract_strided_slice %mul3A {offsets = [0, 2944], sizes = [640, 128], strides = [1, 1]} : vector<640x4096xf32> to vector<640x128xf32>
    %add3A_70 = arith.addf %add3A_68, %slice3A_69 : vector<640x128xf32>
    %slice3A_71 = vector.extract_strided_slice %mul3A {offsets = [0, 3072], sizes = [640, 128], strides = [1, 1]} : vector<640x4096xf32> to vector<640x128xf32>
    %slice3A_72 = vector.extract_strided_slice %mul3A {offsets = [0, 3200], sizes = [640, 128], strides = [1, 1]} : vector<640x4096xf32> to vector<640x128xf32>
    %add3A_73 = arith.addf %slice3A_71, %slice3A_72 : vector<640x128xf32>
    %slice3A_74 = vector.extract_strided_slice %mul3A {offsets = [0, 3328], sizes = [640, 128], strides = [1, 1]} : vector<640x4096xf32> to vector<640x128xf32>
    %add3A_75 = arith.addf %add3A_73, %slice3A_74 : vector<640x128xf32>
    %slice3A_76 = vector.extract_strided_slice %mul3A {offsets = [0, 3456], sizes = [640, 128], strides = [1, 1]} : vector<640x4096xf32> to vector<640x128xf32>
    %add3A_77 = arith.addf %add3A_75, %slice3A_76 : vector<640x128xf32>
    %slice3A_78 = vector.extract_strided_slice %mul3A {offsets = [0, 3584], sizes = [640, 128], strides = [1, 1]} : vector<640x4096xf32> to vector<640x128xf32>
    %slice3A_79 = vector.extract_strided_slice %mul3A {offsets = [0, 3712], sizes = [640, 128], strides = [1, 1]} : vector<640x4096xf32> to vector<640x128xf32>
    %add3A_80 = arith.addf %slice3A_78, %slice3A_79 : vector<640x128xf32>
    %slice3A_81 = vector.extract_strided_slice %mul3A {offsets = [0, 3840], sizes = [640, 128], strides = [1, 1]} : vector<640x4096xf32> to vector<640x128xf32>
    %add3A_82 = arith.addf %add3A_80, %slice3A_81 : vector<640x128xf32>
    %slice3A_83 = vector.extract_strided_slice %mul3A {offsets = [0, 3968], sizes = [640, 128], strides = [1, 1]} : vector<640x4096xf32> to vector<640x128xf32>
    %add3A_84 = arith.addf %add3A_82, %slice3A_83 : vector<640x128xf32>
    %concatenate3A = tpu.concatenate %add3A_35, %add3A_42, %add3A_49, %add3A_56, %add3A_63, %add3A_70, %add3A_77, %add3A_84 in 1 : vector<640x128xf32>, vector<640x128xf32>, vector<640x128xf32>, vector<640x128xf32>, vector<640x128xf32>, vector<640x128xf32>, vector<640x128xf32>, vector<640x128xf32> -> vector<640x1024xf32>
    %get3A_85 = arith.constant 0 : index
    %get3A_86 = arith.constant 0 : index
    %get3A_87 = vector.load %arg8[%get3A_85, %get3A_86] : memref<1024x256xf32, #tpu.memory_space<vmem>>, vector<1024x256xf32>
    %dot_general3A_88 = arith.constant dense<0.000000e+00> : vector<640x256xf32>
    %dot_general3A_89 = tpu.matmul %concatenate3A, %get3A_87, %dot_general3A_88 {dimension_numbers = #tpu.dot_dimension_numbers<[1], [0], [0], [1], [0, 0, 1, 1], [], []>, transpose_lhs_hint = false} : vector<640x1024xf32>, vector<1024x256xf32>, vector<640x256xf32> -> vector<640x256xf32>
    %iota3A = tpu.iota {dimensions = array<i32: 0>} : vector<640x256xi32>
    %mul3A_90 = arith.constant 640 : i32
    %mul3A_91 = arith.muli %arg0, %mul3A_90 : i32
    %add3A_92 = vector.broadcast %mul3A_91 : i32 to vector<640x256xi32>
    %add3A_93 = arith.addi %iota3A, %add3A_92 : vector<640x256xi32>
    %iota3A_94 = tpu.iota {dimensions = array<i32: 1>} : vector<640x256xi32>
    %jit3A = arith.constant 32 : i32
    %div3A = vector.broadcast %jit3A : i32 to vector<640x256xi32>
    %div3A_95 = arith.divsi %iota3A_94, %div3A : vector<640x256xi32>
    %sign3A = arith.constant 0 : i32
    %sign3A_96 = vector.broadcast %sign3A : i32 to vector<640x256xi32>
    %sign3A_97 = arith.cmpi sgt, %iota3A_94, %sign3A_96 : vector<640x256xi32>
    %sign3A_98 = arith.extui %sign3A_97 : vector<640x256xi1> to vector<640x256xi32>
    %sign3A_99 = arith.constant 0 : i32
    %sign3A_100 = vector.broadcast %sign3A_99 : i32 to vector<640x256xi32>
    %sign3A_101 = arith.cmpi slt, %iota3A_94, %sign3A_100 : vector<640x256xi32>
    %sign3A_102 = arith.extui %sign3A_101 : vector<640x256xi1> to vector<640x256xi32>
    %sign3A_103 = arith.subi %sign3A_98, %sign3A_102 : vector<640x256xi32>
    %sign3A_104 = arith.constant 0 : i32
    %sign3A_105 = arith.cmpi sgt, %jit3A, %sign3A_104 : i32
    %sign3A_106 = arith.extui %sign3A_105 : i1 to i32
    %sign3A_107 = arith.constant 0 : i32
    %sign3A_108 = arith.cmpi slt, %jit3A, %sign3A_107 : i32
    %sign3A_109 = arith.extui %sign3A_108 : i1 to i32
    %sign3A_110 = arith.subi %sign3A_106, %sign3A_109 : i32
    %ne3A = vector.broadcast %sign3A_110 : i32 to vector<640x256xi32>
    %ne3A_111 = arith.cmpi ne, %sign3A_103, %ne3A : vector<640x256xi32>
    %rem3A = vector.broadcast %jit3A : i32 to vector<640x256xi32>
    %rem3A_112 = arith.remsi %iota3A_94, %rem3A : vector<640x256xi32>
    %ne3A_113 = arith.constant 0 : i32
    %ne3A_114 = vector.broadcast %ne3A_113 : i32 to vector<640x256xi32>
    %ne3A_115 = arith.cmpi ne, %rem3A_112, %ne3A_114 : vector<640x256xi32>
    %and3A = arith.andi %ne3A_111, %ne3A_115 : vector<640x256xi1>
    %sub3A = arith.constant 1 : i32
    %sub3A_116 = vector.broadcast %sub3A : i32 to vector<640x256xi32>
    %sub3A_117 = arith.subi %div3A_95, %sub3A_116 : vector<640x256xi32>
    %select_n3A = arith.select %and3A, %sub3A_117, %div3A_95 : vector<640x256xi1>, vector<640x256xi32>
    %mul3A_118 = arith.constant 8 : i32
    %mul3A_119 = vector.broadcast %mul3A_118 : i32 to vector<640x256xi32>
    %mul3A_120 = arith.muli %add3A_93, %mul3A_119 : vector<640x256xi32>
    %add3A_121 = arith.addi %mul3A_120, %select_n3A : vector<640x256xi32>
    %lt3A = arith.constant 100000 : i32
    %lt3A_122 = vector.broadcast %lt3A : i32 to vector<640x256xi32>
    %lt3A_123 = arith.cmpi slt, %add3A_121, %lt3A_122 : vector<640x256xi32>
    %jit3A_124 = arith.constant 0.000000e+00 : f32
    %broadcast_in_dim3A = vector.broadcast %jit3A_124 : f32 to vector<640x256xf32>
    %select_n3A_125 = arith.select %lt3A_123, %dot_general3A_89, %broadcast_in_dim3A : vector<640x256xi1>, vector<640x256xf32>
    %swap3A = arith.constant 0 : index
    %swap3A_126 = arith.constant 0 : index
    %swap3A_127 = vector.load %arg9[%swap3A, %swap3A_126] : memref<640x256xf32, #tpu.memory_space<vmem>>, vector<640x256xf32>
    tpu.vector_store %arg9[%swap3A, %swap3A_126], %select_n3A_125 {strides = array<i32>} : memref<640x256xf32, #tpu.memory_space<vmem>>, vector<640x256xf32>,
    return
  }
  func.func @transform_0(%arg0: i32) -> (i32, i32) {
    %min3A = arith.constant 19 : i32
    %min3A_0 = arith.minsi %arg0, %min3A : i32
    %c0_i32 = arith.constant 0 : i32
    %c0_i32_1 = arith.constant 0 : i32
    return %min3A_0, %c0_i32 : i32, i32
  }
  func.func @transform_1(%arg0: i32) -> (i32, i32) {
    %c0_i32 = arith.constant 0 : i32
    %c0_i32_0 = arith.constant 0 : i32
    return %arg0, %c0_i32 : i32, i32
  }
  func.func @transform_2(%arg0: i32) -> (i32, i32) {
    %c0_i32 = arith.constant 0 : i32
    %c0_i32_0 = arith.constant 0 : i32
    %c0_i32_1 = arith.constant 0 : i32
    return %c0_i32, %c0_i32_0 : i32, i32
  }
  func.func @transform_3(%arg0: i32) -> (i32, i32) {
    %c0_i32 = arith.constant 0 : i32
    %c0_i32_0 = arith.constant 0 : i32
    %c0_i32_1 = arith.constant 0 : i32
    return %c0_i32, %c0_i32_0 : i32, i32
  }
  func.func @transform_4(%arg0: i32) -> (i32, i32) {
    %c0_i32 = arith.constant 0 : i32
    %c0_i32_0 = arith.constant 0 : i32
    %c0_i32_1 = arith.constant 0 : i32
    return %c0_i32, %c0_i32_0 : i32, i32
  }
  func.func @transform_5(%arg0: i32) -> (i32, i32) {
    %c0_i32 = arith.constant 0 : i32
    %c0_i32_0 = arith.constant 0 : i32
    %c0_i32_1 = arith.constant 0 : i32
    return %c0_i32, %c0_i32_0 : i32, i32
  }
  func.func @transform_6(%arg0: i32) -> (i32, i32) {
    %c0_i32 = arith.constant 0 : i32
    %c0_i32_0 = arith.constant 0 : i32
    %c0_i32_1 = arith.constant 0 : i32
    return %c0_i32, %c0_i32_0 : i32, i32
  }
  func.func @transform_7(%arg0: i32) -> (i32, i32) {
    %c0_i32 = arith.constant 0 : i32
    %c0_i32_0 = arith.constant 0 : i32
    %c0_i32_1 = arith.constant 0 : i32
    return %c0_i32, %c0_i32_0 : i32, i32
  }
  func.func @transform_8(%arg0: i32) -> (i32, i32) {
    %c0_i32 = arith.constant 0 : i32
    %c0_i32_0 = arith.constant 0 : i32
    return %arg0, %c0_i32 : i32, i32
  }
}

module attributes {stable_mosaic.version = 14 : i64} {
  func.func @body(%arg0: i32, %arg1: memref<2x512x256xf32, #tpu.memory_space<vmem>>, %arg2: memref<512x128xf32, #tpu.memory_space<vmem>>, %arg3: memref<128x256xf32, #tpu.memory_space<vmem>>, %arg4: memref<1x256xf32, #tpu.memory_space<vmem>>, %arg5: memref<512x256xf32, #tpu.memory_space<vmem>>) attributes {dimension_semantics = [#tpu.dimension_semantics<parallel>], iteration_bounds = array<i64: 5>, scalar_prefetch = 0 : i64, scratch_operands = 0 : i64, tpu.core_type = #tpu.core_type<tc>, window_params = [{transform_indices = @transform_0, window_bounds = array<i64: 2, 512, 256>}, {transform_indices = @transform_1, window_bounds = array<i64: 512, 128>}, {pipeline_mode = #tpu.pipeline_mode<synchronous>, transform_indices = @transform_2, window_bounds = array<i64: 128, 256>}, {pipeline_mode = #tpu.pipeline_mode<synchronous>, transform_indices = @transform_3, window_bounds = array<i64: 1, 256>}, {transform_indices = @transform_4, window_bounds = array<i64: 512, 256>}]} {
    %get3A = arith.constant 0 : index
    %get3A_0 = arith.constant 0 : index
    %get3A_1 = arith.constant 0 : index
    %get3A_2 = vector.load %arg1[%get3A, %get3A_0, %get3A_1] : memref<2x512x256xf32, #tpu.memory_space<vmem>>, vector<1x512x256xf32>
    %get3A_3 = vector.shape_cast %get3A_2 : vector<1x512x256xf32> to vector<512x256xf32>
    %get3A_4 = arith.constant 1 : index
    %get3A_5 = arith.constant 0 : index
    %get3A_6 = arith.constant 0 : index
    %get3A_7 = vector.load %arg1[%get3A_4, %get3A_5, %get3A_6] : memref<2x512x256xf32, #tpu.memory_space<vmem>>, vector<1x512x256xf32>
    %get3A_8 = vector.shape_cast %get3A_7 : vector<1x512x256xf32> to vector<512x256xf32>
    %add3A = arith.addf %get3A_3, %get3A_8 : vector<512x256xf32>
    %get3A_9 = arith.constant 0 : index
    %get3A_10 = arith.constant 0 : index
    %get3A_11 = vector.load %arg2[%get3A_9, %get3A_10] : memref<512x128xf32, #tpu.memory_space<vmem>>, vector<512x128xf32>
    %get3A_12 = arith.constant 0 : index
    %get3A_13 = arith.constant 0 : index
    %get3A_14 = vector.load %arg3[%get3A_12, %get3A_13] : memref<128x256xf32, #tpu.memory_space<vmem>>, vector<128x256xf32>
    %dot_general3A = arith.constant dense<0.000000e+00> : vector<512x256xf32>
    %dot_general3A_15 = tpu.matmul %get3A_11, %get3A_14, %dot_general3A {dimension_numbers = #tpu.dot_dimension_numbers<[1], [0], [0], [1], [0, 0, 1, 1], [], []>, precision = #tpu.contract_precision<fp32>, transpose_lhs_hint = false} : vector<512x128xf32>, vector<128x256xf32>, vector<512x256xf32> -> vector<512x256xf32>
    %add3A_16 = arith.addf %add3A, %dot_general3A_15 : vector<512x256xf32>
    %get3A_17 = arith.constant 0 : index
    %get3A_18 = arith.constant 0 : index
    %get3A_19 = vector.load %arg4[%get3A_17, %get3A_18] : memref<1x256xf32, #tpu.memory_space<vmem>>, vector<1x256xf32>
    %add3A_20 = vector.broadcast %get3A_19 : vector<1x256xf32> to vector<512x256xf32>
    %add3A_21 = arith.addf %add3A_16, %add3A_20 : vector<512x256xf32>
    %max3A = arith.constant 0.000000e+00 : f32
    %max3A_22 = vector.broadcast %max3A : f32 to vector<512x256xf32>
    %max3A_23 = arith.maximumf %add3A_21, %max3A_22 : vector<512x256xf32>
    %swap3A = arith.constant 0 : index
    %swap3A_24 = arith.constant 0 : index
    %swap3A_25 = vector.load %arg5[%swap3A, %swap3A_24] : memref<512x256xf32, #tpu.memory_space<vmem>>, vector<512x256xf32>
    tpu.vector_store %arg5[%swap3A, %swap3A_24], %max3A_23 {strides = array<i32>} : memref<512x256xf32, #tpu.memory_space<vmem>>, vector<512x256xf32>,
    return
  }
  func.func @transform_0(%arg0: i32) -> (i32, i32, i32) {
    %c0_i32 = arith.constant 0 : i32
    %c0_i32_0 = arith.constant 0 : i32
    %c0_i32_1 = arith.constant 0 : i32
    return %c0_i32, %arg0, %c0_i32_0 : i32, i32, i32
  }
  func.func @transform_1(%arg0: i32) -> (i32, i32) {
    %c0_i32 = arith.constant 0 : i32
    %c0_i32_0 = arith.constant 0 : i32
    return %arg0, %c0_i32 : i32, i32
  }
  func.func @transform_2(%arg0: i32) -> (i32, i32) {
    %c0_i32 = arith.constant 0 : i32
    %c0_i32_0 = arith.constant 0 : i32
    %c0_i32_1 = arith.constant 0 : i32
    return %c0_i32, %c0_i32_0 : i32, i32
  }
  func.func @transform_3(%arg0: i32) -> (i32, i32) {
    %c0_i32 = arith.constant 0 : i32
    %c0_i32_0 = arith.constant 0 : i32
    %c0_i32_1 = arith.constant 0 : i32
    return %c0_i32, %c0_i32_0 : i32, i32
  }
  func.func @transform_4(%arg0: i32) -> (i32, i32) {
    %c0_i32 = arith.constant 0 : i32
    %c0_i32_0 = arith.constant 0 : i32
    return %arg0, %c0_i32 : i32, i32
  }
}

module attributes {stable_mosaic.version = 14 : i64} {
  func.func @body(%arg0: i32, %arg1: memref<640x128xf32, #tpu.memory_space<vmem>>, %arg2: memref<640x256xf32, #tpu.memory_space<vmem>>, %arg3: memref<128x256xf32, #tpu.memory_space<vmem>>, %arg4: memref<1x256xf32, #tpu.memory_space<vmem>>, %arg5: memref<256x4096xf32, #tpu.memory_space<vmem>>, %arg6: memref<1x4096xf32, #tpu.memory_space<vmem>>, %arg7: memref<256x4096xf32, #tpu.memory_space<vmem>>, %arg8: memref<1024x128xf32, #tpu.memory_space<vmem>>, %arg9: memref<640x128xf32, #tpu.memory_space<vmem>>) attributes {dimension_semantics = [#tpu.dimension_semantics<parallel>], iteration_bounds = array<i64: 20>, scalar_prefetch = 0 : i64, scratch_operands = 0 : i64, tpu.core_type = #tpu.core_type<tc>, window_params = [{transform_indices = @transform_0, window_bounds = array<i64: 640, 128>}, {transform_indices = @transform_1, window_bounds = array<i64: 640, 256>}, {pipeline_mode = #tpu.pipeline_mode<synchronous>, transform_indices = @transform_2, window_bounds = array<i64: 128, 256>}, {pipeline_mode = #tpu.pipeline_mode<synchronous>, transform_indices = @transform_3, window_bounds = array<i64: 1, 256>}, {pipeline_mode = #tpu.pipeline_mode<synchronous>, transform_indices = @transform_4, window_bounds = array<i64: 256, 4096>}, {pipeline_mode = #tpu.pipeline_mode<synchronous>, transform_indices = @transform_5, window_bounds = array<i64: 1, 4096>}, {pipeline_mode = #tpu.pipeline_mode<synchronous>, transform_indices = @transform_6, window_bounds = array<i64: 256, 4096>}, {pipeline_mode = #tpu.pipeline_mode<synchronous>, transform_indices = @transform_7, window_bounds = array<i64: 1024, 128>}, {transform_indices = @transform_8, window_bounds = array<i64: 640, 128>}]} {
    %get3A = arith.constant 0 : index
    %get3A_0 = arith.constant 0 : index
    %get3A_1 = vector.load %arg1[%get3A, %get3A_0] : memref<640x128xf32, #tpu.memory_space<vmem>>, vector<640x128xf32>
    %get3A_2 = arith.constant 0 : index
    %get3A_3 = arith.constant 0 : index
    %get3A_4 = vector.load %arg3[%get3A_2, %get3A_3] : memref<128x256xf32, #tpu.memory_space<vmem>>, vector<128x256xf32>
    %dot_general3A = arith.constant dense<0.000000e+00> : vector<640x256xf32>
    %dot_general3A_5 = tpu.matmul %get3A_1, %get3A_4, %dot_general3A {dimension_numbers = #tpu.dot_dimension_numbers<[1], [0], [0], [1], [0, 0, 1, 1], [], []>, transpose_lhs_hint = false} : vector<640x128xf32>, vector<128x256xf32>, vector<640x256xf32> -> vector<640x256xf32>
    %get3A_6 = arith.constant 0 : index
    %get3A_7 = arith.constant 0 : index
    %get3A_8 = vector.load %arg4[%get3A_6, %get3A_7] : memref<1x256xf32, #tpu.memory_space<vmem>>, vector<1x256xf32>
    %add3A = vector.broadcast %get3A_8 : vector<1x256xf32> to vector<640x256xf32>
    %add3A_9 = arith.addf %dot_general3A_5, %add3A : vector<640x256xf32>
    %max3A = arith.constant 0.000000e+00 : f32
    %max3A_10 = vector.broadcast %max3A : f32 to vector<640x256xf32>
    %max3A_11 = arith.maximumf %add3A_9, %max3A_10 : vector<640x256xf32>
    %get3A_12 = arith.constant 0 : index
    %get3A_13 = arith.constant 0 : index
    %get3A_14 = vector.load %arg5[%get3A_12, %get3A_13] : memref<256x4096xf32, #tpu.memory_space<vmem>>, vector<256x4096xf32>
    %dot_general3A_15 = arith.constant dense<0.000000e+00> : vector<640x4096xf32>
    %dot_general3A_16 = tpu.matmul %max3A_11, %get3A_14, %dot_general3A_15 {dimension_numbers = #tpu.dot_dimension_numbers<[1], [0], [0], [1], [0, 0, 1, 1], [], []>, transpose_lhs_hint = false} : vector<640x256xf32>, vector<256x4096xf32>, vector<640x4096xf32> -> vector<640x4096xf32>
    %get3A_17 = arith.constant 0 : index
    %get3A_18 = arith.constant 0 : index
    %get3A_19 = vector.load %arg6[%get3A_17, %get3A_18] : memref<1x4096xf32, #tpu.memory_space<vmem>>, vector<1x4096xf32>
    %add3A_20 = vector.broadcast %get3A_19 : vector<1x4096xf32> to vector<640x4096xf32>
    %add3A_21 = arith.addf %dot_general3A_16, %add3A_20 : vector<640x4096xf32>
    %get3A_22 = arith.constant 0 : index
    %get3A_23 = arith.constant 0 : index
    %get3A_24 = vector.load %arg2[%get3A_22, %get3A_23] : memref<640x256xf32, #tpu.memory_space<vmem>>, vector<640x256xf32>
    %get3A_25 = arith.constant 0 : index
    %get3A_26 = arith.constant 0 : index
    %get3A_27 = vector.load %arg7[%get3A_25, %get3A_26] : memref<256x4096xf32, #tpu.memory_space<vmem>>, vector<256x4096xf32>
    %dot_general3A_28 = arith.constant dense<0.000000e+00> : vector<640x4096xf32>
    %dot_general3A_29 = tpu.matmul %get3A_24, %get3A_27, %dot_general3A_28 {dimension_numbers = #tpu.dot_dimension_numbers<[1], [0], [0], [1], [0, 0, 1, 1], [], []>, transpose_lhs_hint = false} : vector<640x256xf32>, vector<256x4096xf32>, vector<640x4096xf32> -> vector<640x4096xf32>
    %mul3A = arith.mulf %dot_general3A_29, %add3A_21 : vector<640x4096xf32>
    %slice3A = vector.extract_strided_slice %mul3A {offsets = [0, 0], sizes = [640, 128], strides = [1, 1]} : vector<640x4096xf32> to vector<640x128xf32>
    %slice3A_30 = vector.extract_strided_slice %mul3A {offsets = [0, 128], sizes = [640, 128], strides = [1, 1]} : vector<640x4096xf32> to vector<640x128xf32>
    %add3A_31 = arith.addf %slice3A, %slice3A_30 : vector<640x128xf32>
    %slice3A_32 = vector.extract_strided_slice %mul3A {offsets = [0, 256], sizes = [640, 128], strides = [1, 1]} : vector<640x4096xf32> to vector<640x128xf32>
    %add3A_33 = arith.addf %add3A_31, %slice3A_32 : vector<640x128xf32>
    %slice3A_34 = vector.extract_strided_slice %mul3A {offsets = [0, 384], sizes = [640, 128], strides = [1, 1]} : vector<640x4096xf32> to vector<640x128xf32>
    %add3A_35 = arith.addf %add3A_33, %slice3A_34 : vector<640x128xf32>
    %slice3A_36 = vector.extract_strided_slice %mul3A {offsets = [0, 512], sizes = [640, 128], strides = [1, 1]} : vector<640x4096xf32> to vector<640x128xf32>
    %slice3A_37 = vector.extract_strided_slice %mul3A {offsets = [0, 640], sizes = [640, 128], strides = [1, 1]} : vector<640x4096xf32> to vector<640x128xf32>
    %add3A_38 = arith.addf %slice3A_36, %slice3A_37 : vector<640x128xf32>
    %slice3A_39 = vector.extract_strided_slice %mul3A {offsets = [0, 768], sizes = [640, 128], strides = [1, 1]} : vector<640x4096xf32> to vector<640x128xf32>
    %add3A_40 = arith.addf %add3A_38, %slice3A_39 : vector<640x128xf32>
    %slice3A_41 = vector.extract_strided_slice %mul3A {offsets = [0, 896], sizes = [640, 128], strides = [1, 1]} : vector<640x4096xf32> to vector<640x128xf32>
    %add3A_42 = arith.addf %add3A_40, %slice3A_41 : vector<640x128xf32>
    %slice3A_43 = vector.extract_strided_slice %mul3A {offsets = [0, 1024], sizes = [640, 128], strides = [1, 1]} : vector<640x4096xf32> to vector<640x128xf32>
    %slice3A_44 = vector.extract_strided_slice %mul3A {offsets = [0, 1152], sizes = [640, 128], strides = [1, 1]} : vector<640x4096xf32> to vector<640x128xf32>
    %add3A_45 = arith.addf %slice3A_43, %slice3A_44 : vector<640x128xf32>
    %slice3A_46 = vector.extract_strided_slice %mul3A {offsets = [0, 1280], sizes = [640, 128], strides = [1, 1]} : vector<640x4096xf32> to vector<640x128xf32>
    %add3A_47 = arith.addf %add3A_45, %slice3A_46 : vector<640x128xf32>
    %slice3A_48 = vector.extract_strided_slice %mul3A {offsets = [0, 1408], sizes = [640, 128], strides = [1, 1]} : vector<640x4096xf32> to vector<640x128xf32>
    %add3A_49 = arith.addf %add3A_47, %slice3A_48 : vector<640x128xf32>
    %slice3A_50 = vector.extract_strided_slice %mul3A {offsets = [0, 1536], sizes = [640, 128], strides = [1, 1]} : vector<640x4096xf32> to vector<640x128xf32>
    %slice3A_51 = vector.extract_strided_slice %mul3A {offsets = [0, 1664], sizes = [640, 128], strides = [1, 1]} : vector<640x4096xf32> to vector<640x128xf32>
    %add3A_52 = arith.addf %slice3A_50, %slice3A_51 : vector<640x128xf32>
    %slice3A_53 = vector.extract_strided_slice %mul3A {offsets = [0, 1792], sizes = [640, 128], strides = [1, 1]} : vector<640x4096xf32> to vector<640x128xf32>
    %add3A_54 = arith.addf %add3A_52, %slice3A_53 : vector<640x128xf32>
    %slice3A_55 = vector.extract_strided_slice %mul3A {offsets = [0, 1920], sizes = [640, 128], strides = [1, 1]} : vector<640x4096xf32> to vector<640x128xf32>
    %add3A_56 = arith.addf %add3A_54, %slice3A_55 : vector<640x128xf32>
    %slice3A_57 = vector.extract_strided_slice %mul3A {offsets = [0, 2048], sizes = [640, 128], strides = [1, 1]} : vector<640x4096xf32> to vector<640x128xf32>
    %slice3A_58 = vector.extract_strided_slice %mul3A {offsets = [0, 2176], sizes = [640, 128], strides = [1, 1]} : vector<640x4096xf32> to vector<640x128xf32>
    %add3A_59 = arith.addf %slice3A_57, %slice3A_58 : vector<640x128xf32>
    %slice3A_60 = vector.extract_strided_slice %mul3A {offsets = [0, 2304], sizes = [640, 128], strides = [1, 1]} : vector<640x4096xf32> to vector<640x128xf32>
    %add3A_61 = arith.addf %add3A_59, %slice3A_60 : vector<640x128xf32>
    %slice3A_62 = vector.extract_strided_slice %mul3A {offsets = [0, 2432], sizes = [640, 128], strides = [1, 1]} : vector<640x4096xf32> to vector<640x128xf32>
    %add3A_63 = arith.addf %add3A_61, %slice3A_62 : vector<640x128xf32>
    %slice3A_64 = vector.extract_strided_slice %mul3A {offsets = [0, 2560], sizes = [640, 128], strides = [1, 1]} : vector<640x4096xf32> to vector<640x128xf32>
    %slice3A_65 = vector.extract_strided_slice %mul3A {offsets = [0, 2688], sizes = [640, 128], strides = [1, 1]} : vector<640x4096xf32> to vector<640x128xf32>
    %add3A_66 = arith.addf %slice3A_64, %slice3A_65 : vector<640x128xf32>
    %slice3A_67 = vector.extract_strided_slice %mul3A {offsets = [0, 2816], sizes = [640, 128], strides = [1, 1]} : vector<640x4096xf32> to vector<640x128xf32>
    %add3A_68 = arith.addf %add3A_66, %slice3A_67 : vector<640x128xf32>
    %slice3A_69 = vector.extract_strided_slice %mul3A {offsets = [0, 2944], sizes = [640, 128], strides = [1, 1]} : vector<640x4096xf32> to vector<640x128xf32>
    %add3A_70 = arith.addf %add3A_68, %slice3A_69 : vector<640x128xf32>
    %slice3A_71 = vector.extract_strided_slice %mul3A {offsets = [0, 3072], sizes = [640, 128], strides = [1, 1]} : vector<640x4096xf32> to vector<640x128xf32>
    %slice3A_72 = vector.extract_strided_slice %mul3A {offsets = [0, 3200], sizes = [640, 128], strides = [1, 1]} : vector<640x4096xf32> to vector<640x128xf32>
    %add3A_73 = arith.addf %slice3A_71, %slice3A_72 : vector<640x128xf32>
    %slice3A_74 = vector.extract_strided_slice %mul3A {offsets = [0, 3328], sizes = [640, 128], strides = [1, 1]} : vector<640x4096xf32> to vector<640x128xf32>
    %add3A_75 = arith.addf %add3A_73, %slice3A_74 : vector<640x128xf32>
    %slice3A_76 = vector.extract_strided_slice %mul3A {offsets = [0, 3456], sizes = [640, 128], strides = [1, 1]} : vector<640x4096xf32> to vector<640x128xf32>
    %add3A_77 = arith.addf %add3A_75, %slice3A_76 : vector<640x128xf32>
    %slice3A_78 = vector.extract_strided_slice %mul3A {offsets = [0, 3584], sizes = [640, 128], strides = [1, 1]} : vector<640x4096xf32> to vector<640x128xf32>
    %slice3A_79 = vector.extract_strided_slice %mul3A {offsets = [0, 3712], sizes = [640, 128], strides = [1, 1]} : vector<640x4096xf32> to vector<640x128xf32>
    %add3A_80 = arith.addf %slice3A_78, %slice3A_79 : vector<640x128xf32>
    %slice3A_81 = vector.extract_strided_slice %mul3A {offsets = [0, 3840], sizes = [640, 128], strides = [1, 1]} : vector<640x4096xf32> to vector<640x128xf32>
    %add3A_82 = arith.addf %add3A_80, %slice3A_81 : vector<640x128xf32>
    %slice3A_83 = vector.extract_strided_slice %mul3A {offsets = [0, 3968], sizes = [640, 128], strides = [1, 1]} : vector<640x4096xf32> to vector<640x128xf32>
    %add3A_84 = arith.addf %add3A_82, %slice3A_83 : vector<640x128xf32>
    %concatenate3A = tpu.concatenate %add3A_35, %add3A_42, %add3A_49, %add3A_56, %add3A_63, %add3A_70, %add3A_77, %add3A_84 in 1 : vector<640x128xf32>, vector<640x128xf32>, vector<640x128xf32>, vector<640x128xf32>, vector<640x128xf32>, vector<640x128xf32>, vector<640x128xf32>, vector<640x128xf32> -> vector<640x1024xf32>
    %get3A_85 = arith.constant 0 : index
    %get3A_86 = arith.constant 0 : index
    %get3A_87 = vector.load %arg8[%get3A_85, %get3A_86] : memref<1024x128xf32, #tpu.memory_space<vmem>>, vector<1024x128xf32>
    %dot_general3A_88 = arith.constant dense<0.000000e+00> : vector<640x128xf32>
    %dot_general3A_89 = tpu.matmul %concatenate3A, %get3A_87, %dot_general3A_88 {dimension_numbers = #tpu.dot_dimension_numbers<[1], [0], [0], [1], [0, 0, 1, 1], [], []>, transpose_lhs_hint = false} : vector<640x1024xf32>, vector<1024x128xf32>, vector<640x128xf32> -> vector<640x128xf32>
    %iota3A = tpu.iota {dimensions = array<i32: 0>} : vector<640x128xi32>
    %mul3A_90 = arith.constant 640 : i32
    %mul3A_91 = arith.muli %arg0, %mul3A_90 : i32
    %add3A_92 = vector.broadcast %mul3A_91 : i32 to vector<640x128xi32>
    %add3A_93 = arith.addi %iota3A, %add3A_92 : vector<640x128xi32>
    %iota3A_94 = tpu.iota {dimensions = array<i32: 1>} : vector<640x128xi32>
    %jit3A = arith.constant 16 : i32
    %div3A = vector.broadcast %jit3A : i32 to vector<640x128xi32>
    %div3A_95 = arith.divsi %iota3A_94, %div3A : vector<640x128xi32>
    %sign3A = arith.constant 0 : i32
    %sign3A_96 = vector.broadcast %sign3A : i32 to vector<640x128xi32>
    %sign3A_97 = arith.cmpi sgt, %iota3A_94, %sign3A_96 : vector<640x128xi32>
    %sign3A_98 = arith.extui %sign3A_97 : vector<640x128xi1> to vector<640x128xi32>
    %sign3A_99 = arith.constant 0 : i32
    %sign3A_100 = vector.broadcast %sign3A_99 : i32 to vector<640x128xi32>
    %sign3A_101 = arith.cmpi slt, %iota3A_94, %sign3A_100 : vector<640x128xi32>
    %sign3A_102 = arith.extui %sign3A_101 : vector<640x128xi1> to vector<640x128xi32>
    %sign3A_103 = arith.subi %sign3A_98, %sign3A_102 : vector<640x128xi32>
    %sign3A_104 = arith.constant 0 : i32
    %sign3A_105 = arith.cmpi sgt, %jit3A, %sign3A_104 : i32
    %sign3A_106 = arith.extui %sign3A_105 : i1 to i32
    %sign3A_107 = arith.constant 0 : i32
    %sign3A_108 = arith.cmpi slt, %jit3A, %sign3A_107 : i32
    %sign3A_109 = arith.extui %sign3A_108 : i1 to i32
    %sign3A_110 = arith.subi %sign3A_106, %sign3A_109 : i32
    %ne3A = vector.broadcast %sign3A_110 : i32 to vector<640x128xi32>
    %ne3A_111 = arith.cmpi ne, %sign3A_103, %ne3A : vector<640x128xi32>
    %rem3A = vector.broadcast %jit3A : i32 to vector<640x128xi32>
    %rem3A_112 = arith.remsi %iota3A_94, %rem3A : vector<640x128xi32>
    %ne3A_113 = arith.constant 0 : i32
    %ne3A_114 = vector.broadcast %ne3A_113 : i32 to vector<640x128xi32>
    %ne3A_115 = arith.cmpi ne, %rem3A_112, %ne3A_114 : vector<640x128xi32>
    %and3A = arith.andi %ne3A_111, %ne3A_115 : vector<640x128xi1>
    %sub3A = arith.constant 1 : i32
    %sub3A_116 = vector.broadcast %sub3A : i32 to vector<640x128xi32>
    %sub3A_117 = arith.subi %div3A_95, %sub3A_116 : vector<640x128xi32>
    %select_n3A = arith.select %and3A, %sub3A_117, %div3A_95 : vector<640x128xi1>, vector<640x128xi32>
    %mul3A_118 = arith.constant 8 : i32
    %mul3A_119 = vector.broadcast %mul3A_118 : i32 to vector<640x128xi32>
    %mul3A_120 = arith.muli %add3A_93, %mul3A_119 : vector<640x128xi32>
    %add3A_121 = arith.addi %mul3A_120, %select_n3A : vector<640x128xi32>
    %lt3A = arith.constant 100000 : i32
    %lt3A_122 = vector.broadcast %lt3A : i32 to vector<640x128xi32>
    %lt3A_123 = arith.cmpi slt, %add3A_121, %lt3A_122 : vector<640x128xi32>
    %jit3A_124 = arith.constant 0.000000e+00 : f32
    %broadcast_in_dim3A = vector.broadcast %jit3A_124 : f32 to vector<640x128xf32>
    %select_n3A_125 = arith.select %lt3A_123, %dot_general3A_89, %broadcast_in_dim3A : vector<640x128xi1>, vector<640x128xf32>
    %swap3A = arith.constant 0 : index
    %swap3A_126 = arith.constant 0 : index
    %swap3A_127 = vector.load %arg9[%swap3A, %swap3A_126] : memref<640x128xf32, #tpu.memory_space<vmem>>, vector<640x128xf32>
    tpu.vector_store %arg9[%swap3A, %swap3A_126], %select_n3A_125 {strides = array<i32>} : memref<640x128xf32, #tpu.memory_space<vmem>>, vector<640x128xf32>,
    return
  }
  func.func @transform_0(%arg0: i32) -> (i32, i32) {
    %min3A = arith.constant 19 : i32
    %min3A_0 = arith.minsi %arg0, %min3A : i32
    %c0_i32 = arith.constant 0 : i32
    %c0_i32_1 = arith.constant 0 : i32
    return %min3A_0, %c0_i32 : i32, i32
  }
  func.func @transform_1(%arg0: i32) -> (i32, i32) {
    %c0_i32 = arith.constant 0 : i32
    %c0_i32_0 = arith.constant 0 : i32
    return %arg0, %c0_i32 : i32, i32
  }
  func.func @transform_2(%arg0: i32) -> (i32, i32) {
    %c0_i32 = arith.constant 0 : i32
    %c0_i32_0 = arith.constant 0 : i32
    %c0_i32_1 = arith.constant 0 : i32
    return %c0_i32, %c0_i32_0 : i32, i32
  }
  func.func @transform_3(%arg0: i32) -> (i32, i32) {
    %c0_i32 = arith.constant 0 : i32
    %c0_i32_0 = arith.constant 0 : i32
    %c0_i32_1 = arith.constant 0 : i32
    return %c0_i32, %c0_i32_0 : i32, i32
  }
  func.func @transform_4(%arg0: i32) -> (i32, i32) {
    %c0_i32 = arith.constant 0 : i32
    %c0_i32_0 = arith.constant 0 : i32
    %c0_i32_1 = arith.constant 0 : i32
    return %c0_i32, %c0_i32_0 : i32, i32
  }
  func.func @transform_5(%arg0: i32) -> (i32, i32) {
    %c0_i32 = arith.constant 0 : i32
    %c0_i32_0 = arith.constant 0 : i32
    %c0_i32_1 = arith.constant 0 : i32
    return %c0_i32, %c0_i32_0 : i32, i32
  }
  func.func @transform_6(%arg0: i32) -> (i32, i32) {
    %c0_i32 = arith.constant 0 : i32
    %c0_i32_0 = arith.constant 0 : i32
    %c0_i32_1 = arith.constant 0 : i32
    return %c0_i32, %c0_i32_0 : i32, i32
  }
  func.func @transform_7(%arg0: i32) -> (i32, i32) {
    %c0_i32 = arith.constant 0 : i32
    %c0_i32_0 = arith.constant 0 : i32
    %c0_i32_1 = arith.constant 0 : i32
    return %c0_i32, %c0_i32_0 : i32, i32
  }
  func.func @transform_8(%arg0: i32) -> (i32, i32) {
    %c0_i32 = arith.constant 0 : i32
    %c0_i32_0 = arith.constant 0 : i32
    return %arg0, %c0_i32 : i32, i32
  }
}

module attributes {stable_mosaic.version = 14 : i64} {
  func.func @body(%arg0: i32, %arg1: memref<2x512x128xf32, #tpu.memory_space<vmem>>, %arg2: memref<512x256xf32, #tpu.memory_space<vmem>>, %arg3: memref<256x128xf32, #tpu.memory_space<vmem>>, %arg4: memref<1x128xf32, #tpu.memory_space<vmem>>, %arg5: memref<1x8x512xi32, #tpu.memory_space<vmem>>, %arg6: memref<16x32xf32, #tpu.memory_space<vmem>>, %arg7: memref<1x32xf32, #tpu.memory_space<vmem>>, %arg8: memref<32x1xf32, #tpu.memory_space<vmem>>, %arg9: memref<1x1xf32, #tpu.memory_space<vmem>>, %arg10: memref<64x1xf32, #tpu.memory_space<vmem>>, %arg11: memref<64x16xf32, #tpu.memory_space<vmem>>) attributes {dimension_semantics = [#tpu.dimension_semantics<arbitrary>], iteration_bounds = array<i64: 5>, scalar_prefetch = 0 : i64, scratch_operands = 1 : i64, tpu.core_type = #tpu.core_type<tc>, window_params = [{transform_indices = @transform_0, window_bounds = array<i64: 2, 512, 128>}, {transform_indices = @transform_1, window_bounds = array<i64: 512, 256>}, {pipeline_mode = #tpu.pipeline_mode<synchronous>, transform_indices = @transform_2, window_bounds = array<i64: 256, 128>}, {pipeline_mode = #tpu.pipeline_mode<synchronous>, transform_indices = @transform_3, window_bounds = array<i64: 1, 128>}, {transform_indices = @transform_4, window_bounds = array<i64: 1, 8, 512>}, {pipeline_mode = #tpu.pipeline_mode<synchronous>, transform_indices = @transform_5, window_bounds = array<i64: 16, 32>}, {pipeline_mode = #tpu.pipeline_mode<synchronous>, transform_indices = @transform_6, window_bounds = array<i64: 1, 32>}, {pipeline_mode = #tpu.pipeline_mode<synchronous>, transform_indices = @transform_7, window_bounds = array<i64: 32, 1>}, {pipeline_mode = #tpu.pipeline_mode<synchronous>, transform_indices = @transform_8, window_bounds = array<i64: 1, 1>}, {pipeline_mode = #tpu.pipeline_mode<synchronous>, transform_indices = @transform_9, window_bounds = array<i64: 64, 1>}]} {
    %eq3A = arith.constant 0 : i32
    %eq3A_0 = arith.cmpi eq, %arg0, %eq3A : i32
    %convert_element_type3A = arith.extui %eq3A_0 : i1 to i32
    %cond3A = arith.constant 0 : i32
    %cond3A_1 = arith.cmpi ne, %convert_element_type3A, %cond3A : i32
    scf.if %cond3A_1 {
      %broadcast_in_dim3A_162 = arith.constant 0.000000e+00 : f32
      %broadcast_in_dim3A_163 = vector.broadcast %broadcast_in_dim3A_162 : f32 to vector<64x16xf32>
      %swap3A_164 = arith.constant 0 : index
      %swap3A_165 = arith.constant 0 : index
      %swap3A_166 = vector.load %arg11[%swap3A_164, %swap3A_165] : memref<64x16xf32, #tpu.memory_space<vmem>>, vector<64x16xf32>
      tpu.vector_store %arg11[%swap3A_164, %swap3A_165], %broadcast_in_dim3A_163 {strides = array<i32>} : memref<64x16xf32, #tpu.memory_space<vmem>>, vector<64x16xf32>,
    } else {
    }
    %get3A = arith.constant 0 : index
    %get3A_2 = arith.constant 0 : index
    %get3A_3 = arith.constant 0 : index
    %get3A_4 = vector.load %arg1[%get3A, %get3A_2, %get3A_3] : memref<2x512x128xf32, #tpu.memory_space<vmem>>, vector<1x512x128xf32>
    %get3A_5 = vector.shape_cast %get3A_4 : vector<1x512x128xf32> to vector<512x128xf32>
    %get3A_6 = arith.constant 1 : index
    %get3A_7 = arith.constant 0 : index
    %get3A_8 = arith.constant 0 : index
    %get3A_9 = vector.load %arg1[%get3A_6, %get3A_7, %get3A_8] : memref<2x512x128xf32, #tpu.memory_space<vmem>>, vector<1x512x128xf32>
    %get3A_10 = vector.shape_cast %get3A_9 : vector<1x512x128xf32> to vector<512x128xf32>
    %add3A = arith.addf %get3A_5, %get3A_10 : vector<512x128xf32>
    %get3A_11 = arith.constant 0 : index
    %get3A_12 = arith.constant 0 : index
    %get3A_13 = vector.load %arg2[%get3A_11, %get3A_12] : memref<512x256xf32, #tpu.memory_space<vmem>>, vector<512x256xf32>
    %get3A_14 = arith.constant 0 : index
    %get3A_15 = arith.constant 0 : index
    %get3A_16 = vector.load %arg3[%get3A_14, %get3A_15] : memref<256x128xf32, #tpu.memory_space<vmem>>, vector<256x128xf32>
    %dot_general3A = arith.constant dense<0.000000e+00> : vector<512x128xf32>
    %dot_general3A_17 = tpu.matmul %get3A_13, %get3A_16, %dot_general3A {dimension_numbers = #tpu.dot_dimension_numbers<[1], [0], [0], [1], [0, 0, 1, 1], [], []>, precision = #tpu.contract_precision<fp32>, transpose_lhs_hint = false} : vector<512x256xf32>, vector<256x128xf32>, vector<512x128xf32> -> vector<512x128xf32>
    %add3A_18 = arith.addf %add3A, %dot_general3A_17 : vector<512x128xf32>
    %get3A_19 = arith.constant 0 : index
    %get3A_20 = arith.constant 0 : index
    %get3A_21 = vector.load %arg4[%get3A_19, %get3A_20] : memref<1x128xf32, #tpu.memory_space<vmem>>, vector<1x128xf32>
    %add3A_22 = vector.broadcast %get3A_21 : vector<1x128xf32> to vector<512x128xf32>
    %add3A_23 = arith.addf %add3A_18, %add3A_22 : vector<512x128xf32>
    %max3A = arith.constant 0.000000e+00 : f32
    %max3A_24 = vector.broadcast %max3A : f32 to vector<512x128xf32>
    %max3A_25 = arith.maximumf %add3A_23, %max3A_24 : vector<512x128xf32>
    %iota3A = tpu.iota {dimensions = array<i32: 0>} : vector<512x1xi32>
    %mul3A = arith.constant 512 : i32
    %mul3A_26 = arith.muli %arg0, %mul3A : i32
    %add3A_27 = vector.broadcast %mul3A_26 : i32 to vector<512x1xi32>
    %add3A_28 = arith.addi %iota3A, %add3A_27 : vector<512x1xi32>
    %lt3A = arith.constant 2500 : i32
    %lt3A_29 = vector.broadcast %lt3A : i32 to vector<512x1xi32>
    %lt3A_30 = arith.cmpi slt, %add3A_28, %lt3A_29 : vector<512x1xi32>
    %jit3A = arith.constant 0.000000e+00 : f32
    %broadcast_in_dim3A = vector.shape_cast %lt3A_30 : vector<512x1xi1> to vector<512x1xi1>
    %broadcast_in_dim3A_31 = vector.broadcast %broadcast_in_dim3A : vector<512x1xi1> to vector<512x128xi1>
    %broadcast_in_dim3A_32 = vector.broadcast %jit3A : f32 to vector<512x128xf32>
    %select_n3A = arith.select %broadcast_in_dim3A_31, %max3A_25, %broadcast_in_dim3A_32 : vector<512x128xi1>, vector<512x128xf32>
    %get3A_33 = arith.constant 0 : index
    %get3A_34 = arith.constant 0 : index
    %get3A_35 = vector.load %arg11[%get3A_33, %get3A_34] : memref<64x16xf32, #tpu.memory_space<vmem>>, vector<64x16xf32>
    %get3A_36 = arith.constant 0 : index
    %get3A_37 = arith.constant 0 : index
    %get3A_38 = arith.constant 0 : index
    %get3A_39 = vector.load %arg5[%get3A_36, %get3A_37, %get3A_38] : memref<1x8x512xi32, #tpu.memory_space<vmem>>, vector<1x1x512xi32>
    %get3A_40 = vector.shape_cast %get3A_39 : vector<1x1x512xi32> to vector<512xi32>
    %iota3A_41 = tpu.iota {dimensions = array<i32: 0>} : vector<64x512xi32>
    %broadcast_in_dim3A_42 = vector.shape_cast %get3A_40 : vector<512xi32> to vector<1x512xi32>
    %eq3A_43 = vector.broadcast %broadcast_in_dim3A_42 : vector<1x512xi32> to vector<64x512xi32>
    %eq3A_44 = arith.cmpi eq, %iota3A_41, %eq3A_43 : vector<64x512xi32>
    %convert_element_type3A_45 = arith.extui %eq3A_44 : vector<64x512xi1> to vector<64x512xi32>
    %convert_element_type3A_46 = arith.sitofp %convert_element_type3A_45 : vector<64x512xi32> to vector<64x512xf32>
    %dot_general3A_47 = arith.constant dense<0.000000e+00> : vector<64x128xf32>
    %dot_general3A_48 = tpu.matmul %convert_element_type3A_46, %select_n3A, %dot_general3A_47 {dimension_numbers = #tpu.dot_dimension_numbers<[1], [0], [0], [1], [0, 0, 1, 1], [], []>, precision = #tpu.contract_precision<fp32>, transpose_lhs_hint = false} : vector<64x512xf32>, vector<512x128xf32>, vector<64x128xf32> -> vector<64x128xf32>
    %slice3A = vector.extract_strided_slice %dot_general3A_48 {offsets = [0, 0], sizes = [64, 16], strides = [1, 1]} : vector<64x128xf32> to vector<64x16xf32>
    %add3A_49 = arith.addf %get3A_35, %slice3A : vector<64x16xf32>
    %get3A_50 = arith.constant 0 : index
    %get3A_51 = arith.constant 1 : index
    %get3A_52 = arith.constant 0 : index
    %get3A_53 = vector.load %arg5[%get3A_50, %get3A_51, %get3A_52] : memref<1x8x512xi32, #tpu.memory_space<vmem>>, vector<1x1x512xi32>
    %get3A_54 = vector.shape_cast %get3A_53 : vector<1x1x512xi32> to vector<512xi32>
    %iota3A_55 = tpu.iota {dimensions = array<i32: 0>} : vector<64x512xi32>
    %broadcast_in_dim3A_56 = vector.shape_cast %get3A_54 : vector<512xi32> to vector<1x512xi32>
    %eq3A_57 = vector.broadcast %broadcast_in_dim3A_56 : vector<1x512xi32> to vector<64x512xi32>
    %eq3A_58 = arith.cmpi eq, %iota3A_55, %eq3A_57 : vector<64x512xi32>
    %convert_element_type3A_59 = arith.extui %eq3A_58 : vector<64x512xi1> to vector<64x512xi32>
    %convert_element_type3A_60 = arith.sitofp %convert_element_type3A_59 : vector<64x512xi32> to vector<64x512xf32>
    %dot_general3A_61 = arith.constant dense<0.000000e+00> : vector<64x128xf32>
    %dot_general3A_62 = tpu.matmul %convert_element_type3A_60, %select_n3A, %dot_general3A_61 {dimension_numbers = #tpu.dot_dimension_numbers<[1], [0], [0], [1], [0, 0, 1, 1], [], []>, precision = #tpu.contract_precision<fp32>, transpose_lhs_hint = false} : vector<64x512xf32>, vector<512x128xf32>, vector<64x128xf32> -> vector<64x128xf32>
    %slice3A_63 = vector.extract_strided_slice %dot_general3A_62 {offsets = [0, 16], sizes = [64, 16], strides = [1, 1]} : vector<64x128xf32> to vector<64x16xf32>
    %add3A_64 = arith.addf %add3A_49, %slice3A_63 : vector<64x16xf32>
    %get3A_65 = arith.constant 0 : index
    %get3A_66 = arith.constant 2 : index
    %get3A_67 = arith.constant 0 : index
    %get3A_68 = vector.load %arg5[%get3A_65, %get3A_66, %get3A_67] : memref<1x8x512xi32, #tpu.memory_space<vmem>>, vector<1x1x512xi32>
    %get3A_69 = vector.shape_cast %get3A_68 : vector<1x1x512xi32> to vector<512xi32>
    %iota3A_70 = tpu.iota {dimensions = array<i32: 0>} : vector<64x512xi32>
    %broadcast_in_dim3A_71 = vector.shape_cast %get3A_69 : vector<512xi32> to vector<1x512xi32>
    %eq3A_72 = vector.broadcast %broadcast_in_dim3A_71 : vector<1x512xi32> to vector<64x512xi32>
    %eq3A_73 = arith.cmpi eq, %iota3A_70, %eq3A_72 : vector<64x512xi32>
    %convert_element_type3A_74 = arith.extui %eq3A_73 : vector<64x512xi1> to vector<64x512xi32>
    %convert_element_type3A_75 = arith.sitofp %convert_element_type3A_74 : vector<64x512xi32> to vector<64x512xf32>
    %dot_general3A_76 = arith.constant dense<0.000000e+00> : vector<64x128xf32>
    %dot_general3A_77 = tpu.matmul %convert_element_type3A_75, %select_n3A, %dot_general3A_76 {dimension_numbers = #tpu.dot_dimension_numbers<[1], [0], [0], [1], [0, 0, 1, 1], [], []>, precision = #tpu.contract_precision<fp32>, transpose_lhs_hint = false} : vector<64x512xf32>, vector<512x128xf32>, vector<64x128xf32> -> vector<64x128xf32>
    %slice3A_78 = vector.extract_strided_slice %dot_general3A_77 {offsets = [0, 32], sizes = [64, 16], strides = [1, 1]} : vector<64x128xf32> to vector<64x16xf32>
    %add3A_79 = arith.addf %add3A_64, %slice3A_78 : vector<64x16xf32>
    %get3A_80 = arith.constant 0 : index
    %get3A_81 = arith.constant 3 : index
    %get3A_82 = arith.constant 0 : index
    %get3A_83 = vector.load %arg5[%get3A_80, %get3A_81, %get3A_82] : memref<1x8x512xi32, #tpu.memory_space<vmem>>, vector<1x1x512xi32>
    %get3A_84 = vector.shape_cast %get3A_83 : vector<1x1x512xi32> to vector<512xi32>
    %iota3A_85 = tpu.iota {dimensions = array<i32: 0>} : vector<64x512xi32>
    %broadcast_in_dim3A_86 = vector.shape_cast %get3A_84 : vector<512xi32> to vector<1x512xi32>
    %eq3A_87 = vector.broadcast %broadcast_in_dim3A_86 : vector<1x512xi32> to vector<64x512xi32>
    %eq3A_88 = arith.cmpi eq, %iota3A_85, %eq3A_87 : vector<64x512xi32>
    %convert_element_type3A_89 = arith.extui %eq3A_88 : vector<64x512xi1> to vector<64x512xi32>
    %convert_element_type3A_90 = arith.sitofp %convert_element_type3A_89 : vector<64x512xi32> to vector<64x512xf32>
    %dot_general3A_91 = arith.constant dense<0.000000e+00> : vector<64x128xf32>
    %dot_general3A_92 = tpu.matmul %convert_element_type3A_90, %select_n3A, %dot_general3A_91 {dimension_numbers = #tpu.dot_dimension_numbers<[1], [0], [0], [1], [0, 0, 1, 1], [], []>, precision = #tpu.contract_precision<fp32>, transpose_lhs_hint = false} : vector<64x512xf32>, vector<512x128xf32>, vector<64x128xf32> -> vector<64x128xf32>
    %slice3A_93 = vector.extract_strided_slice %dot_general3A_92 {offsets = [0, 48], sizes = [64, 16], strides = [1, 1]} : vector<64x128xf32> to vector<64x16xf32>
    %add3A_94 = arith.addf %add3A_79, %slice3A_93 : vector<64x16xf32>
    %get3A_95 = arith.constant 0 : index
    %get3A_96 = arith.constant 4 : index
    %get3A_97 = arith.constant 0 : index
    %get3A_98 = vector.load %arg5[%get3A_95, %get3A_96, %get3A_97] : memref<1x8x512xi32, #tpu.memory_space<vmem>>, vector<1x1x512xi32>
    %get3A_99 = vector.shape_cast %get3A_98 : vector<1x1x512xi32> to vector<512xi32>
    %iota3A_100 = tpu.iota {dimensions = array<i32: 0>} : vector<64x512xi32>
    %broadcast_in_dim3A_101 = vector.shape_cast %get3A_99 : vector<512xi32> to vector<1x512xi32>
    %eq3A_102 = vector.broadcast %broadcast_in_dim3A_101 : vector<1x512xi32> to vector<64x512xi32>
    %eq3A_103 = arith.cmpi eq, %iota3A_100, %eq3A_102 : vector<64x512xi32>
    %convert_element_type3A_104 = arith.extui %eq3A_103 : vector<64x512xi1> to vector<64x512xi32>
    %convert_element_type3A_105 = arith.sitofp %convert_element_type3A_104 : vector<64x512xi32> to vector<64x512xf32>
    %dot_general3A_106 = arith.constant dense<0.000000e+00> : vector<64x128xf32>
    %dot_general3A_107 = tpu.matmul %convert_element_type3A_105, %select_n3A, %dot_general3A_106 {dimension_numbers = #tpu.dot_dimension_numbers<[1], [0], [0], [1], [0, 0, 1, 1], [], []>, precision = #tpu.contract_precision<fp32>, transpose_lhs_hint = false} : vector<64x512xf32>, vector<512x128xf32>, vector<64x128xf32> -> vector<64x128xf32>
    %slice3A_108 = vector.extract_strided_slice %dot_general3A_107 {offsets = [0, 64], sizes = [64, 16], strides = [1, 1]} : vector<64x128xf32> to vector<64x16xf32>
    %add3A_109 = arith.addf %add3A_94, %slice3A_108 : vector<64x16xf32>
    %get3A_110 = arith.constant 0 : index
    %get3A_111 = arith.constant 5 : index
    %get3A_112 = arith.constant 0 : index
    %get3A_113 = vector.load %arg5[%get3A_110, %get3A_111, %get3A_112] : memref<1x8x512xi32, #tpu.memory_space<vmem>>, vector<1x1x512xi32>
    %get3A_114 = vector.shape_cast %get3A_113 : vector<1x1x512xi32> to vector<512xi32>
    %iota3A_115 = tpu.iota {dimensions = array<i32: 0>} : vector<64x512xi32>
    %broadcast_in_dim3A_116 = vector.shape_cast %get3A_114 : vector<512xi32> to vector<1x512xi32>
    %eq3A_117 = vector.broadcast %broadcast_in_dim3A_116 : vector<1x512xi32> to vector<64x512xi32>
    %eq3A_118 = arith.cmpi eq, %iota3A_115, %eq3A_117 : vector<64x512xi32>
    %convert_element_type3A_119 = arith.extui %eq3A_118 : vector<64x512xi1> to vector<64x512xi32>
    %convert_element_type3A_120 = arith.sitofp %convert_element_type3A_119 : vector<64x512xi32> to vector<64x512xf32>
    %dot_general3A_121 = arith.constant dense<0.000000e+00> : vector<64x128xf32>
    %dot_general3A_122 = tpu.matmul %convert_element_type3A_120, %select_n3A, %dot_general3A_121 {dimension_numbers = #tpu.dot_dimension_numbers<[1], [0], [0], [1], [0, 0, 1, 1], [], []>, precision = #tpu.contract_precision<fp32>, transpose_lhs_hint = false} : vector<64x512xf32>, vector<512x128xf32>, vector<64x128xf32> -> vector<64x128xf32>
    %slice3A_123 = vector.extract_strided_slice %dot_general3A_122 {offsets = [0, 80], sizes = [64, 16], strides = [1, 1]} : vector<64x128xf32> to vector<64x16xf32>
    %add3A_124 = arith.addf %add3A_109, %slice3A_123 : vector<64x16xf32>
    %get3A_125 = arith.constant 0 : index
    %get3A_126 = arith.constant 6 : index
    %get3A_127 = arith.constant 0 : index
    %get3A_128 = vector.load %arg5[%get3A_125, %get3A_126, %get3A_127] : memref<1x8x512xi32, #tpu.memory_space<vmem>>, vector<1x1x512xi32>
    %get3A_129 = vector.shape_cast %get3A_128 : vector<1x1x512xi32> to vector<512xi32>
    %iota3A_130 = tpu.iota {dimensions = array<i32: 0>} : vector<64x512xi32>
    %broadcast_in_dim3A_131 = vector.shape_cast %get3A_129 : vector<512xi32> to vector<1x512xi32>
    %eq3A_132 = vector.broadcast %broadcast_in_dim3A_131 : vector<1x512xi32> to vector<64x512xi32>
    %eq3A_133 = arith.cmpi eq, %iota3A_130, %eq3A_132 : vector<64x512xi32>
    %convert_element_type3A_134 = arith.extui %eq3A_133 : vector<64x512xi1> to vector<64x512xi32>
    %convert_element_type3A_135 = arith.sitofp %convert_element_type3A_134 : vector<64x512xi32> to vector<64x512xf32>
    %dot_general3A_136 = arith.constant dense<0.000000e+00> : vector<64x128xf32>
    %dot_general3A_137 = tpu.matmul %convert_element_type3A_135, %select_n3A, %dot_general3A_136 {dimension_numbers = #tpu.dot_dimension_numbers<[1], [0], [0], [1], [0, 0, 1, 1], [], []>, precision = #tpu.contract_precision<fp32>, transpose_lhs_hint = false} : vector<64x512xf32>, vector<512x128xf32>, vector<64x128xf32> -> vector<64x128xf32>
    %slice3A_138 = vector.extract_strided_slice %dot_general3A_137 {offsets = [0, 96], sizes = [64, 16], strides = [1, 1]} : vector<64x128xf32> to vector<64x16xf32>
    %add3A_139 = arith.addf %add3A_124, %slice3A_138 : vector<64x16xf32>
    %get3A_140 = arith.constant 0 : index
    %get3A_141 = arith.constant 7 : index
    %get3A_142 = arith.constant 0 : index
    %get3A_143 = vector.load %arg5[%get3A_140, %get3A_141, %get3A_142] : memref<1x8x512xi32, #tpu.memory_space<vmem>>, vector<1x1x512xi32>
    %get3A_144 = vector.shape_cast %get3A_143 : vector<1x1x512xi32> to vector<512xi32>
    %iota3A_145 = tpu.iota {dimensions = array<i32: 0>} : vector<64x512xi32>
    %broadcast_in_dim3A_146 = vector.shape_cast %get3A_144 : vector<512xi32> to vector<1x512xi32>
    %eq3A_147 = vector.broadcast %broadcast_in_dim3A_146 : vector<1x512xi32> to vector<64x512xi32>
    %eq3A_148 = arith.cmpi eq, %iota3A_145, %eq3A_147 : vector<64x512xi32>
    %convert_element_type3A_149 = arith.extui %eq3A_148 : vector<64x512xi1> to vector<64x512xi32>
    %convert_element_type3A_150 = arith.sitofp %convert_element_type3A_149 : vector<64x512xi32> to vector<64x512xf32>
    %dot_general3A_151 = arith.constant dense<0.000000e+00> : vector<64x128xf32>
    %dot_general3A_152 = tpu.matmul %convert_element_type3A_150, %select_n3A, %dot_general3A_151 {dimension_numbers = #tpu.dot_dimension_numbers<[1], [0], [0], [1], [0, 0, 1, 1], [], []>, precision = #tpu.contract_precision<fp32>, transpose_lhs_hint = false} : vector<64x512xf32>, vector<512x128xf32>, vector<64x128xf32> -> vector<64x128xf32>
    %slice3A_153 = vector.extract_strided_slice %dot_general3A_152 {offsets = [0, 112], sizes = [64, 16], strides = [1, 1]} : vector<64x128xf32> to vector<64x16xf32>
    %add3A_154 = arith.addf %add3A_139, %slice3A_153 : vector<64x16xf32>
    %swap3A = arith.constant 0 : index
    %swap3A_155 = arith.constant 0 : index
    %swap3A_156 = vector.load %arg11[%swap3A, %swap3A_155] : memref<64x16xf32, #tpu.memory_space<vmem>>, vector<64x16xf32>
    tpu.vector_store %arg11[%swap3A, %swap3A_155], %add3A_154 {strides = array<i32>} : memref<64x16xf32, #tpu.memory_space<vmem>>, vector<64x16xf32>,
    %eq3A_157 = arith.constant 4 : i32
    %eq3A_158 = arith.cmpi eq, %arg0, %eq3A_157 : i32
    %convert_element_type3A_159 = arith.extui %eq3A_158 : i1 to i32
    %cond3A_160 = arith.constant 0 : i32
    %cond3A_161 = arith.cmpi ne, %convert_element_type3A_159, %cond3A_160 : i32
    scf.if %cond3A_161 {
      %get3A_162 = arith.constant 0 : index
      %get3A_163 = arith.constant 0 : index
      %get3A_164 = vector.load %arg6[%get3A_162, %get3A_163] : memref<16x32xf32, #tpu.memory_space<vmem>>, vector<16x32xf32>
      %dot_general3A_165 = arith.constant dense<0.000000e+00> : vector<64x32xf32>
      %dot_general3A_166 = tpu.matmul %add3A_154, %get3A_164, %dot_general3A_165 {dimension_numbers = #tpu.dot_dimension_numbers<[1], [0], [0], [1], [0, 0, 1, 1], [], []>, precision = #tpu.contract_precision<fp32>, transpose_lhs_hint = false} : vector<64x16xf32>, vector<16x32xf32>, vector<64x32xf32> -> vector<64x32xf32>
      %get3A_167 = arith.constant 0 : index
      %get3A_168 = arith.constant 0 : index
      %get3A_169 = vector.load %arg7[%get3A_167, %get3A_168] : memref<1x32xf32, #tpu.memory_space<vmem>>, vector<1x32xf32>
      %add3A_170 = vector.broadcast %get3A_169 : vector<1x32xf32> to vector<64x32xf32>
      %add3A_171 = arith.addf %dot_general3A_166, %add3A_170 : vector<64x32xf32>
      %max3A_172 = arith.constant 0.000000e+00 : f32
      %max3A_173 = vector.broadcast %max3A_172 : f32 to vector<64x32xf32>
      %max3A_174 = arith.maximumf %add3A_171, %max3A_173 : vector<64x32xf32>
      %get3A_175 = arith.constant 0 : index
      %get3A_176 = arith.constant 0 : index
      %get3A_177 = vector.load %arg8[%get3A_175, %get3A_176] : memref<32x1xf32, #tpu.memory_space<vmem>>, vector<32x1xf32>
      %dot_general3A_178 = arith.constant dense<0.000000e+00> : vector<64x1xf32>
      %dot_general3A_179 = tpu.matmul %max3A_174, %get3A_177, %dot_general3A_178 {dimension_numbers = #tpu.dot_dimension_numbers<[1], [0], [0], [1], [0, 0, 1, 1], [], []>, precision = #tpu.contract_precision<fp32>, transpose_lhs_hint = false} : vector<64x32xf32>, vector<32x1xf32>, vector<64x1xf32> -> vector<64x1xf32>
      %get3A_180 = arith.constant 0 : index
      %get3A_181 = arith.constant 0 : index
      %get3A_182 = vector.load %arg9[%get3A_180, %get3A_181] : memref<1x1xf32, #tpu.memory_space<vmem>>, vector<1x1xf32>
      %add3A_183 = vector.broadcast %get3A_182 : vector<1x1xf32> to vector<64x1xf32>
      %add3A_184 = arith.addf %dot_general3A_179, %add3A_183 : vector<64x1xf32>
      %swap3A_185 = arith.constant 0 : index
      %swap3A_186 = arith.constant 0 : index
      %swap3A_187 = vector.load %arg10[%swap3A_185, %swap3A_186] : memref<64x1xf32, #tpu.memory_space<vmem>>, vector<64x1xf32>
      tpu.vector_store %arg10[%swap3A_185, %swap3A_186], %add3A_184 {strides = array<i32>} : memref<64x1xf32, #tpu.memory_space<vmem>>, vector<64x1xf32>,
    } else {
    }
    return
  }
  func.func @transform_0(%arg0: i32) -> (i32, i32, i32) {
    %c0_i32 = arith.constant 0 : i32
    %c0_i32_0 = arith.constant 0 : i32
    %c0_i32_1 = arith.constant 0 : i32
    return %c0_i32, %arg0, %c0_i32_0 : i32, i32, i32
  }
  func.func @transform_1(%arg0: i32) -> (i32, i32) {
    %c0_i32 = arith.constant 0 : i32
    %c0_i32_0 = arith.constant 0 : i32
    return %arg0, %c0_i32 : i32, i32
  }
  func.func @transform_2(%arg0: i32) -> (i32, i32) {
    %c0_i32 = arith.constant 0 : i32
    %c0_i32_0 = arith.constant 0 : i32
    %c0_i32_1 = arith.constant 0 : i32
    return %c0_i32, %c0_i32_0 : i32, i32
  }
  func.func @transform_3(%arg0: i32) -> (i32, i32) {
    %c0_i32 = arith.constant 0 : i32
    %c0_i32_0 = arith.constant 0 : i32
    %c0_i32_1 = arith.constant 0 : i32
    return %c0_i32, %c0_i32_0 : i32, i32
  }
  func.func @transform_4(%arg0: i32) -> (i32, i32, i32) {
    %c0_i32 = arith.constant 0 : i32
    %c0_i32_0 = arith.constant 0 : i32
    %c0_i32_1 = arith.constant 0 : i32
    return %arg0, %c0_i32, %c0_i32_0 : i32, i32, i32
  }
  func.func @transform_5(%arg0: i32) -> (i32, i32) {
    %c0_i32 = arith.constant 0 : i32
    %c0_i32_0 = arith.constant 0 : i32
    %c0_i32_1 = arith.constant 0 : i32
    return %c0_i32, %c0_i32_0 : i32, i32
  }
  func.func @transform_6(%arg0: i32) -> (i32, i32) {
    %c0_i32 = arith.constant 0 : i32
    %c0_i32_0 = arith.constant 0 : i32
    %c0_i32_1 = arith.constant 0 : i32
    return %c0_i32, %c0_i32_0 : i32, i32
  }
  func.func @transform_7(%arg0: i32) -> (i32, i32) {
    %c0_i32 = arith.constant 0 : i32
    %c0_i32_0 = arith.constant 0 : i32
    %c0_i32_1 = arith.constant 0 : i32
    return %c0_i32, %c0_i32_0 : i32, i32
  }
  func.func @transform_8(%arg0: i32) -> (i32, i32) {
    %c0_i32 = arith.constant 0 : i32
    %c0_i32_0 = arith.constant 0 : i32
    %c0_i32_1 = arith.constant 0 : i32
    return %c0_i32, %c0_i32_0 : i32, i32
  }
  func.func @transform_9(%arg0: i32) -> (i32, i32) {
    %c0_i32 = arith.constant 0 : i32
    %c0_i32_0 = arith.constant 0 : i32
    %c0_i32_1 = arith.constant 0 : i32
    return %c0_i32, %c0_i32_0 : i32, i32
  }
}

</mosaic_0001>

<sc_bundles>
// kernel: kernel.10.cloned.1.call-start
scs
__scs_entry_jumppad:
0x0: {  	(pc) =	sbr.rel $0x88, $3  }
0x1: {  	(tag) =	ssettag $0x0;
	lr =	simm.s32 $0x1  }
0x2: {  	[smem:$0x3F8D] =	sst lr;
	_ =	strace $0xD0000000  }
0x3: {  	_ = 	snop  }
0x4: {  	_ = 	snop  }
0x5: {  	_ = 	snop  }
0x6: {  	_ = 	snop  }
0x7: {  	_ = 	snop  }
__scs_overlays_trampoline_lowered:
0x8: {  	[smem:$0x3F9C] =	sst s0  }
0x9: {  	[smem:$0x3F9D] =	sst s1  }
0xa: {  	[smem:$0x3F9E] =	sst s2  }
0xb: {  	[smem:$0x3F9F] =	sst s3  }
0xc: {  	[smem:$0x3FA0] =	sst s4  }
0xd: {  	[smem:$0x3FA1] =	sst s5  }
0xe: {  	[smem:$0x3FA2] =	sst s6  }
0xf: {  	[smem:$0x3FA3] =	sst s7  }
0x10: {  	[smem:$0x3FA4] =	sst s8  }
0x11: {  	[smem:$0x3FA5] =	sst s9;
	s0 =	simm.s32 @!p0 $0x0  }
0x12: {  	s1 =	sld [smem:$0x3F8B];
	s0 =	simm.s32 @p0 $0x1  }
0x13: {  	[smem:$0x3FA6] =	sst s0;
	s0 =	simm.s32 @!p1 $0x0  }
0x14: {  	s2 =	sld [smem:$0x3F8A];
	s0 =	simm.s32 @p1 $0x1  }
0x15: {  	[smem:$0x3FA7] =	sst s0;
	s0 =	simm.s32 @!p2 $0x0  }
0x16: {  	s3 =	sld [smem:$0x3FDB];
	s0 =	simm.s32 @p2 $0x1  }
0x17: {  	s4 =	simm.s32 $0x1BF5;
	[smem:$0x3FA9] =	sst s0  }
0x18: {  	s0 =	sld [smem:$0x3F8C];
	_ =	swait.ge [sflag:s4], $0x0  }
0x19: {  	s7 =	sld [smem:$0x3F8D]  }
0x1a: {  	s8 =	sadd.s32 $0xFFFFE003, lr  }
0x1b: {  	s9 =	sadd.s32 $0xFFFFFEF7, lr;
	s5 =	simm.s32 $0xFFFFFFFF;
	p2 =	slt.u32 s8, $0xFFFFF086  }
0x1c: {  	p1 =	slt.u32 s9, $0xF7A;
	s5 =	simm.s32 @!p2 $0x0  }
0x1d: {  	s5 =	simm.s32 @p1 $0x1;
	p0 =	seq.s32 s7, s2  }
0x1e: {  	s7 =	smul.u32 @!p0 $0xF7A, s2;
	p2 =	seq.s32 @!p0 s5, $0x0  }
0x1f: {  	s9 =	smul.u32 $0xF7A, s1;
	s8 =	simm.s32 @!p0 $0x1BF5;
	p2 =	por !p2, p0  }
0x20: {  	[sflag:s8] =	ssyncset.s32 @!p0 $0xFFFFF086;
	s6 =	sadd.s32 @!p0 s3, s7;
	s7 =	simm.s32 @!p0 $0x108  }
0x21: {  	s3 =	sadd.s32 s3, s9;
	s6 =	sadd.s32 @!p0 $0x88, s6;
	s7 =	simm.s32 @p2 $0x1082  }
0x22: {  	[simem:s7], [sflag:s8] =	dma.local @!p0 [hbm:s6], $0xF7A  }
0x23: {  	s9 =	sor.u32 $0xD0000000, s2;
	s6 =	simm.s32 $0x108;
	_ =	swait.ge @!p0 [sflag:s8], $0x0  }
0x24: {  	s3 =	sadd.s32 $0x88, s3;
	s6 =	simm.s32 @!p1 $0x1082;
	[sflag:s4] =	ssyncset.s32 $0xFFFFF086  }
0x25: {  	[simem:s6], [sflag:s4] =	dma.local [hbm:s3], $0xF7A  }
0x26: {  	[smem:$0x3F8D] =	sst s1;
	(tag) =	ssettag s2;
	_ =	strace s9  }
0x27: {  	s1 =	sld [smem:$0x3F9D]  }
0x28: {  	s2 =	sld [smem:$0x3F9E]  }
0x29: {  	s4 =	sld [smem:$0x3FA0]  }
0x2a: {  	p0 =	seq.s32 s5, $0x0;
	s5 =	sld [smem:$0x3FA1]  }
0x2b: {  	s6 =	sld [smem:$0x3FA2]  }
0x2c: {  	s7 =	sld [smem:$0x3FA3]  }
0x2d: {  	s3 =	simm.s32 $0x108;
	s8 =	sld [smem:$0x3FA4]  }
0x2e: {  	s3 =	simm.s32 @!p0 $0x1082;
	s9 =	sld [smem:$0x3FA5]  }
0x2f: {  	lr =	sadd.s32 s0, s3;
	s0 =	sld [smem:$0x3F9C]  }
0x30: {  	s3 =	sld [smem:$0x3F9F]  }
0x31: {  	[smem:$0x3FA8] =	sst s10  }
0x32: {  	s10 =	sld [smem:$0x3FA6];
	_ =	sdelay $0x3  }
0x33: {  	p0 =	seq.s32 s10, $0x1;
	s10 =	sld [smem:$0x3FA8];
	_ =	sdelay $0x3  }
0x34: {  	[smem:$0x3FA8] =	sst s10  }
0x35: {  	s10 =	sld [smem:$0x3FA7];
	_ =	sdelay $0x3  }
0x36: {  	p1 =	seq.s32 s10, $0x1;
	s10 =	sld [smem:$0x3FA8];
	_ =	sdelay $0x3  }
0x37: {  	[smem:$0x3FA8] =	sst s10  }
0x38: {  	s10 =	sld [smem:$0x3FA9]  }
0x39: {  	_ = 	snop;
	(pc) =	sbr.ind lr, $3  }
0x3a: {  	_ = 	snop  }
0x3b: {  	_ = 	snop  }
0x3c: {  	p2 =	seq.s32 s10, $0x1;
	s10 =	sld [smem:$0x3FA8]  }
0x3d: {  	_ =	shalt  }
0x3e: {  	_ =	shalt  }
0x3f: {  	_ =	shalt  }
0x40: {  	_ =	shalt  }
0x41: {  	_ =	shalt  }
0x42: {  	_ =	shalt  }
0x43: {  	_ =	shalt  }
0x44: {  	_ =	shalt  }
0x45: {  	_ =	shalt  }
0x46: {  	_ =	shalt  }
0x47: {  	_ =	shalt  }
0x48: {  	_ =	shalt  }
0x49: {  	_ =	shalt  }
0x4a: {  	_ =	shalt  }
0x4b: {  	_ =	shalt  }
0x4c: {  	_ =	shalt  }
0x4d: {  	_ =	shalt  }
0x4e: {  	_ =	shalt  }
0x4f: {  	_ =	shalt  }
0x50: {  	_ =	shalt  }
0x51: {  	_ =	shalt  }
0x52: {  	_ =	shalt  }
0x53: {  	_ =	shalt  }
0x54: {  	_ =	shalt  }
0x55: {  	_ =	shalt  }
0x56: {  	_ =	shalt  }
0x57: {  	_ =	shalt  }
0x58: {  	_ =	shalt  }
0x59: {  	_ =	shalt  }
0x5a: {  	_ =	shalt  }
0x5b: {  	_ =	shalt  }
0x5c: {  	_ =	shalt  }
0x5d: {  	_ =	shalt  }
0x5e: {  	_ =	shalt  }
0x5f: {  	_ =	shalt  }
0x60: {  	_ =	shalt  }
0x61: {  	_ =	shalt  }
0x62: {  	_ =	shalt  }
0x63: {  	_ =	shalt  }
0x64: {  	_ =	shalt  }
0x65: {  	_ =	shalt  }
0x66: {  	_ =	shalt  }
0x67: {  	_ =	shalt  }
0x68: {  	_ =	shalt  }
0x69: {  	_ =	shalt  }
0x6a: {  	_ =	shalt  }
0x6b: {  	_ =	shalt  }
0x6c: {  	_ =	shalt  }
0x6d: {  	_ =	shalt  }
0x6e: {  	_ =	shalt  }
0x6f: {  	_ =	shalt  }
0x70: {  	_ =	shalt  }
0x71: {  	_ =	shalt  }
0x72: {  	_ =	shalt  }
0x73: {  	_ =	shalt  }
0x74: {  	_ =	shalt  }
0x75: {  	_ =	shalt  }
0x76: {  	_ =	shalt  }
0x77: {  	_ =	shalt  }
0x78: {  	_ =	shalt  }
0x79: {  	_ =	shalt  }
0x7a: {  	_ =	shalt  }
0x7b: {  	_ =	shalt  }
0x7c: {  	_ =	shalt  }
0x7d: {  	_ =	shalt  }
0x7e: {  	_ =	shalt  }
0x7f: {  	_ =	shalt  }
0x80: {  	_ =	shalt  }
0x81: {  	_ =	shalt  }
0x82: {  	_ =	shalt  }
0x83: {  	_ =	shalt  }
0x84: {  	_ =	shalt  }
0x85: {  	_ =	shalt  }
0x86: {  	_ =	shalt  }
0x87: {  	_ =	shalt  }
.Lfunc_end0:
.L_simem_size_0:
called_computation_lowered:
.L_overlay_start_0:
0x88: {  	s2 =	sld [smem:$0x3FD9]  }
0x89: {  	s3 =	sld [smem:$0x3FFE];
	_ =	sdelay $0x1  }
0x8a: {  	s1 =	srdreg.scid  }
0x8b: {  	s0 =	sand.u32 $0x1, s1  }
0x8c: {  	s16 =	sshll.u32 s0, $0xA;
	s2 =	sadd.s32 s3, s2  }
0x8d: {  	s2 =	sadd.s32 s2, s16  }
0x8e: {  	[smem:$0x3FB4] =	sst s2  }
0x8f: {  	_ = 	snop  }
0x90: {  	(tm) =	ssettm $0x1  }
0x91: {  	s17 =	sld [smem:$0x3FFB];
	_ =	sdelay $0x3  }
0x92: {  	_ =	strace s17  }
0x93: {  	s2 =	sld [smem:$0x3FFC];
	_ =	sdelay $0x3  }
0x94: {  	_ =	strace s2  }
0x95: {  	s2 =	sld [smem:$0x3FFD];
	_ =	sdelay $0x3  }
0x96: {  	_ =	strace s2  }
0x97: {  	_ =	strace $0x8FFFFFFF  }
0x98: {  	s18 =	sld [smem:$0x3FDB];
	_ =	sdelay $0x1  }
0x99: {  	s19 =	simm.s32 $_scs_section_size  }
0x9a: {  	s4 =	simm.s32 $_size__tile_overlayer_lowered;
	s5 =	simm.s32 $_tile_overlayer_lowered  }
0x9b: {  	s22 =	simm.s32 $0x1BFF;
	s21 =	sshll.u32 s5, $0x1;
	s2 =	sadd.s32 s19, s18  }
0x9c: {  	s6 =	simm.s32 $0x0;
	s20 =	sshll.u32 s4, $0x1;
	s4 =	sadd.s32 s21, s2  }
0x9d: {  	[timem:s6], [sflag:s22] =	dma.local [hbm:s4], s20  }
0x9e: {  	_ =	swait.ge [sflag:s22], s20  }
0x9f: {  	s3 =	ssub.s32 $0x0, s20;
	[sflag:s22] =	ssyncset.done $0x0  }
0xa0: {  	[sflag:s22] =	ssyncadd.s32 s3;
	_ =	sdelay $0x1  }
0xa1: {  	s23 =	simm.s32 $0x1B8B  }
0xa2: {  	_ =	swait.ge [sflag:s23], $0x1  }
0xa3: {  	[sflag:s23] =	ssyncset.done $0x0  }
0xa4: {  	s25 =	simm.s32 $0x1B8E;
	s24 =	sld [smem:$0x3FFE];
	[sflag:s23] =	ssyncadd.s32 $0xFFFFFFFF  }
0xa5: {  	s26 =	simm.s32 $execute0_lowered;
	[smem:$0x3FD2] =	sst s25  }
0xa6: {  	s4 =	sshll.u32 s26, $0x1;
	_ =	strace $0x80000046;
	[dreg:$0x1] =	wrdreg $0xFFFFFFFF  }
0xa7: {  	s28 =	simm.s32 $_size_execute0_lowered;
	s2 =	sadd.s32 s2, s4;
	[dreg:$0x0] =	wrdreg $0x0  }
0xa8: {  	s4 =	sshll.u32 s28, $0x1;
	[dreg:$0x2] =	wrdreg s2  }
0xa9: {  	[dreg:$0x3] =	wrdreg s4  }
0xaa: {  	[dreg:$0x4] =	wrdreg $0xC0  }
0xab: {  	_ =	task [dreg:s6], $0x5FFFF  }
0xac: {  	[dreg:$0x1] =	wrdreg $0xFFFFFFFF  }
0xad: {  	[dreg:$0x0] =	wrdreg $0x60  }
0xae: {  	[dreg:$0x2] =	wrdreg s24  }
0xaf: {  	[dreg:$0x3] =	wrdreg $0x9  }
0xb0: {  	_ =	task.clear_ibuf [dreg:s6], $0x4FFFF;
	_ =	strace $0x90000046  }
0xb1: {  	s29 =	simm.s32 $0x9;
	_ =	strace $0x80000048  }
0xb2: {  	_ =	swait.ge [sflag:s29], $0x1  }
0xb3: {  	[sflag:s29] =	ssyncadd.s32 $0xFFFFFFFF  }
0xb4: {  	_ =	strace $0x90000048  }
0xb5: {  	_ =	sfence  }
0xb6: {  	s30 =	sld [smem:$0x0];
	_ =	sdelay $0x2  }
0xb7: {  	s31 =	sshll.u32 s1, $0xD;
	s1 =	sshrl.u32 s1, $0x2  }
0xb8: {  	s3 =	sand.u32 $0x4000, s31;
	s1 =	sadd.s32 s1, s30  }
0xb9: {  	s0 =	sor.u32 s3, s0;
	s1 =	sshll.u32 s1, $0x11  }
0xba: {  	s0 =	sor.u32 s1, s0  }
0xbb: {  	s0 =	sadd.s32 $0x8F2B, s0  }
0xbc: {  	[sflag:s0] =	ssyncadd.remote.s32 $0x1  }
0xbd: {  	_ =	sfence.sel $0xFFFF  }
0xbe: {  	[dreg:$0x0] =	wrdreg $0xFFFFFFFF;
	(pc) =	sbr.abs _section_cstart, $3  }
0xbf: {  	[dreg:$0x1] =	wrdreg $0xFFFFFFFF  }
0xc0: {  	_ =	task.clear_ibuf [dreg:s6], $0x2FFFF;
	_ =	strace $0x9FFFFFFF  }
0xc1: {  	(tm) =	ssettm $0x7FFFFFFF  }
tec
execute0_lowered:
.L_overlay_start_1:
0x0: {  	(tag) =	ssettag $0x1  }
0x1: {  	s0 =	srdreg.scid  }
0x2: {  	s4 =	sand.u32 $0x1, s0  }
0x3: {  	s0 =	smul.u32 $0xFFFFFFF6, s4  }
0x4: {  	s5 =	rddreg [dreg:$0x0];
	s1 =	stileid.u32  }
0x5: {  	s3 =	simm.s32 $0x0;
	s7 =	smul.u32 $0x1E000, s4;
	s2 =	sadd.s32 $0x1E, s0  }
0x6: {  	[smem:$0x7FF] =	sst s3;
	s9 =	sshll.u32 s1, $0x9;
	s6 =	smul.u32 s2, s1  }
0x7: {  	s8 =	ssub.s32 $0x2, s4;
	s9 =	sadd.s32 s9, s5;
	s30 =	sshll.u32 s4, $0xD  }
0x8: {  	s4 =	sadd.s32 $0x3C00, s5;
	s29 =	sshrl.u32 s8, $0x1;
	s6 =	sshll.u32 s6, $0x8  }
0x9: {  	s0 =	rddreg [dreg:$0x1];
	_ =	strace $0x80000047;
	s6 =	sadd.s32 s7, s6  }
0xa: {  	s7 =	ssub.s32 s8, s29;
	s8 =	sadd.s32 s30, s9;
	s6 =	sand.u32 $0x1FFFFE00, s6  }
0xb: {  	s9 =	simm.s32 $0x0;
	s31 =	sadd.s32 s6, s5;
	s5 =	sadd.s32 $0xDA00, s8  }
0xc: {  	s6 =	smax.u32 s7, $0x1;
	s8 =	simm.s32 $0x2;
	s7 =	sadd.s32 $0x11A00, s31  }
.LBB2_1:
0xd: {  	[tilespmem:s3], [sflag:$0x2] =	stream.linear.gather [hbm4b:s5+s3], $0x1000, $0x38;
	[tilespmem:$0x10000] =	vst v63  }
0xe: {  	_ =	swait.ge [sflag:s8], $0x1000  }
0xf: {  	s10 =	simm.s32 $0x1000;
	s11 =	simm.s32 $0x0;
	[sflag:s8] =	ssyncset.done $0x0  }
0x10: {  	s12 =	simm.s32 $0x1000;
	s13 =	simm.s32 $0x0;
	[sflag:s8] =	ssyncadd.s32 $0xFFFFF000  }
.LBB2_2:
0x11: {  	p0 =	sge.u32 s13, s2  }
0x12: {  	s13 =	sadd.s32 $0x1, s13;
	s14 =	simm.s32 @!p0 $0x80  }
0x13: {  	[tilespmem:s12], [sflag:$0x1] =	stream.indirect.gather @!p0 [hbm4b:s4+s14], $0x10, s11, s14, $0xb8;
	[tilespmem:$0x10000] =	vst v63  }
0x14: {  	p0 =	sne.s32 s13, $0x1E  }
.Ltmp0:
0x15: {  	_ = 	snop;
	(pc) =	sbr.rel @p0 .LBB2_2-.Ltmp0, $2  }
0x16: {  	_ =	sdelay $0x2  }
0x17: {  	s12 =	sadd.s32 $0x800, s12;
	s11 =	sadd.s32 $0x80, s11  }
0x18: {  	p0 =	sle.u32 s2, $0x0  }
0x19: {  	s11 =	simm.s32 @!p0 $0x1;
	p0 =	por p0, p0  }
0x1a: {  	_ =	swait.ge @!p0 [sflag:s11], $0x800  }
0x1b: {  	[sflag:s11] =	ssyncset.done @!p0 $0x0  }
0x1c: {  	s13 =	simm.s32 @!p0 $0x2;
	[sflag:s11] =	ssyncadd.s32 @!p0 $0xFFFFF800;
	s11 =	simm.s32 @!p0 $0x0  }
0x1d: {  	[hbm4b:s7+s11] =	stream.linear.scatter @!p0 [tilespmem:s10], [sflag:$0x2], $0x800, $0x38;
	[tilespmem:$0x10000] =	vst v63  }
0x1e: {  	s12 =	simm.s32 $0x2;
	p2 =	sle.u32 s2, $0x1;
	_ =	swait.ge @!p0 [sflag:s13], $0x800  }
0x1f: {  	s10 =	simm.s32 $0x1800;
	s11 =	sadd.s32 $0x100, s7;
	[sflag:s13] =	ssyncset.done @!p0 $0x0  }
.LBB2_4:
0x20: {  	s14 =	simm.s32 @!p2 $0x1;
	[sflag:s13] =	ssyncadd.s32 @!p0 $0xFFFFF800  }
0x21: {  	s15 =	smov.u32 s12;
	s12 =	sadd.s32 $0x1, s12;
	p0 =	por p2, p2  }
0x22: {  	p1 =	sne.s32 s12, $0x1E;
	_ =	swait.ge @!p0 [sflag:s14], $0x800  }
.Ltmp1:
0x23: {  	[sflag:s14] =	ssyncset.done @!p0 $0x0;
	(pc) =	sbr.rel @p1 .LBB2_4-.Ltmp1, $4  }
0x24: {  	s13 =	simm.s32 @!p0 $0x2;
	[sflag:s14] =	ssyncadd.s32 @!p0 $0xFFFFF800;
	s14 =	simm.s32 @!p0 $0x0  }
0x25: {  	[hbm4b:s11+s14] =	stream.linear.scatter @!p0 [tilespmem:s10], [sflag:$0x2], $0x800, $0x38;
	[tilespmem:$0x10000] =	vst v63  }
0x26: {  	s10 =	sadd.s32 $0x800, s10;
	_ =	swait.ge @!p0 [sflag:s13], $0x800  }
0x27: {  	p2 =	sge.u32 s15, s2;
	s11 =	sadd.s32 $0x100, s11;
	[sflag:s13] =	ssyncset.done @!p0 $0x0  }
0x28: {  	s12 =	simm.s32 @!p2 $0x1;
	[sflag:s13] =	ssyncadd.s32 @!p0 $0xFFFFF800;
	p0 =	por p2, p2  }
0x29: {  	s9 =	sadd.s32 $0x1, s9;
	_ =	swait.ge @!p0 [sflag:s12], $0x800  }
0x2a: {  	s13 =	simm.s32 @!p0 $0x2;
	p1 =	sne.s32 s9, s6;
	[sflag:s12] =	ssyncset.done @!p0 $0x0  }
.Ltmp2:
0x2b: {  	[sflag:s12] =	ssyncadd.s32 @!p0 $0xFFFFF800;
	s12 =	simm.s32 @!p0 $0x0;
	(pc) =	sbr.rel @p1 .LBB2_1-.Ltmp2, $4  }
0x2c: {  	[hbm4b:s11+s12] =	stream.linear.scatter @!p0 [tilespmem:s10], [sflag:$0x2], $0x800, $0x38;
	[tilespmem:$0x10000] =	vst v63  }
0x2d: {  	_ =	swait.ge @!p0 [sflag:s13], $0x800  }
0x2e: {  	[sflag:s13] =	ssyncset.done @!p0 $0x0  }
0x2f: {  	[sflag:s13] =	ssyncadd.s32 @!p0 $0xFFFFF800  }
0x30: {  	_ =	sfence.sel $0x180000  }
0x31: {  	[bflag:$0x0] =	sbarrier.arrive $0xFFFF  }
0x32: {  	p0 =	sne.s32 s1, $0x0;
	_ =	strace $0x90000047  }
0x33: {  	s0 =	sadd.s32 @!p0 $0x100000, s0;
	[bflag:$0x2] =	sbarrier.arrive $0xFFFF  }
0x34: {  	[sflag:s0] =	ssyncadd.tile.s32 @!p0 $0x1;
	_ =	shalt  }
.Lfunc_end2:
_tile_overlayer_lowered:
.L_overlay_start_2:
0x35: {  	(tag) =	ssettag $0x2  }
0x36: {  	s0 =	rddreg [dreg:$0x0];
	s2 =	stileid.u32  }
0x37: {  	s1 =	rddreg [dreg:$0x1];
	p0 =	sne.s32 s2, $0x0  }
0x38: {  	s3 =	rddreg [dreg:$0x2];
	[bflag:$0x3] =	sbarrier.arrive $0xFFFF;
	s2 =	simm.s32 @!p0 $0x1C02  }
0x39: {  	[timem:s3], [sflag:s2] =	dma.local @!p0 [hbm:s0], s1  }
0x3a: {  	s0 =	simm.s32 @!p0 $0x2  }
0x3b: {  	_ =	swait.ge @!p0 [sflag:s0], s1  }
0x3c: {  	s1 =	ssub.s32 @!p0 $0x0, s1;
	[sflag:s0] =	ssyncset.done @!p0 $0x0  }
0x3d: {  	[sflag:s0] =	ssyncadd.s32 @!p0 s1  }
0x3e: {  	[bflag:$0x3] =	sbarrier.arrive $0xFFFF  }
0x3f: {  	_ =	shalt  }

// kernel: kernel.13.cloned.1.call-start
scs
__scs_entry_jumppad:
0x0: {  	(pc) =	sbr.rel $0x88, $3  }
0x1: {  	(tag) =	ssettag $0x0;
	lr =	simm.s32 $0x1  }
0x2: {  	[smem:$0x3F8D] =	sst lr;
	_ =	strace $0xD0000000  }
0x3: {  	_ = 	snop  }
0x4: {  	_ = 	snop  }
0x5: {  	_ = 	snop  }
0x6: {  	_ = 	snop  }
0x7: {  	_ = 	snop  }
__scs_overlays_trampoline_lowered:
0x8: {  	[smem:$0x3F9C] =	sst s0  }
0x9: {  	[smem:$0x3F9D] =	sst s1  }
0xa: {  	[smem:$0x3F9E] =	sst s2  }
0xb: {  	[smem:$0x3F9F] =	sst s3  }
0xc: {  	[smem:$0x3FA0] =	sst s4  }
0xd: {  	[smem:$0x3FA1] =	sst s5  }
0xe: {  	[smem:$0x3FA2] =	sst s6  }
0xf: {  	[smem:$0x3FA3] =	sst s7  }
0x10: {  	[smem:$0x3FA4] =	sst s8  }
0x11: {  	[smem:$0x3FA5] =	sst s9;
	s0 =	simm.s32 @!p0 $0x0  }
0x12: {  	s1 =	sld [smem:$0x3F8B];
	s0 =	simm.s32 @p0 $0x1  }
0x13: {  	[smem:$0x3FA6] =	sst s0;
	s0 =	simm.s32 @!p1 $0x0  }
0x14: {  	s2 =	sld [smem:$0x3F8A];
	s0 =	simm.s32 @p1 $0x1  }
0x15: {  	[smem:$0x3FA7] =	sst s0;
	s0 =	simm.s32 @!p2 $0x0  }
0x16: {  	s3 =	sld [smem:$0x3FDB];
	s0 =	simm.s32 @p2 $0x1  }
0x17: {  	s4 =	simm.s32 $0x1BF5;
	[smem:$0x3FA9] =	sst s0  }
0x18: {  	s0 =	sld [smem:$0x3F8C];
	_ =	swait.ge [sflag:s4], $0x0  }
0x19: {  	s7 =	sld [smem:$0x3F8D]  }
0x1a: {  	s8 =	sadd.s32 $0xFFFFE003, lr  }
0x1b: {  	s9 =	sadd.s32 $0xFFFFFEF7, lr;
	s5 =	simm.s32 $0xFFFFFFFF;
	p2 =	slt.u32 s8, $0xFFFFF086  }
0x1c: {  	p1 =	slt.u32 s9, $0xF7A;
	s5 =	simm.s32 @!p2 $0x0  }
0x1d: {  	s5 =	simm.s32 @p1 $0x1;
	p0 =	seq.s32 s7, s2  }
0x1e: {  	s7 =	smul.u32 @!p0 $0xF7A, s2;
	p2 =	seq.s32 @!p0 s5, $0x0  }
0x1f: {  	s9 =	smul.u32 $0xF7A, s1;
	s8 =	simm.s32 @!p0 $0x1BF5;
	p2 =	por !p2, p0  }
0x20: {  	[sflag:s8] =	ssyncset.s32 @!p0 $0xFFFFF086;
	s6 =	sadd.s32 @!p0 s3, s7;
	s7 =	simm.s32 @!p0 $0x108  }
0x21: {  	s3 =	sadd.s32 s3, s9;
	s6 =	sadd.s32 @!p0 $0x88, s6;
	s7 =	simm.s32 @p2 $0x1082  }
0x22: {  	[simem:s7], [sflag:s8] =	dma.local @!p0 [hbm:s6], $0xF7A  }
0x23: {  	s9 =	sor.u32 $0xD0000000, s2;
	s6 =	simm.s32 $0x108;
	_ =	swait.ge @!p0 [sflag:s8], $0x0  }
0x24: {  	s3 =	sadd.s32 $0x88, s3;
	s6 =	simm.s32 @!p1 $0x1082;
	[sflag:s4] =	ssyncset.s32 $0xFFFFF086  }
0x25: {  	[simem:s6], [sflag:s4] =	dma.local [hbm:s3], $0xF7A  }
0x26: {  	[smem:$0x3F8D] =	sst s1;
	(tag) =	ssettag s2;
	_ =	strace s9  }
0x27: {  	s1 =	sld [smem:$0x3F9D]  }
0x28: {  	s2 =	sld [smem:$0x3F9E]  }
0x29: {  	s4 =	sld [smem:$0x3FA0]  }
0x2a: {  	p0 =	seq.s32 s5, $0x0;
	s5 =	sld [smem:$0x3FA1]  }
0x2b: {  	s6 =	sld [smem:$0x3FA2]  }
0x2c: {  	s7 =	sld [smem:$0x3FA3]  }
0x2d: {  	s3 =	simm.s32 $0x108;
	s8 =	sld [smem:$0x3FA4]  }
0x2e: {  	s3 =	simm.s32 @!p0 $0x1082;
	s9 =	sld [smem:$0x3FA5]  }
0x2f: {  	lr =	sadd.s32 s0, s3;
	s0 =	sld [smem:$0x3F9C]  }
0x30: {  	s3 =	sld [smem:$0x3F9F]  }
0x31: {  	[smem:$0x3FA8] =	sst s10  }
0x32: {  	s10 =	sld [smem:$0x3FA6];
	_ =	sdelay $0x3  }
0x33: {  	p0 =	seq.s32 s10, $0x1;
	s10 =	sld [smem:$0x3FA8];
	_ =	sdelay $0x3  }
0x34: {  	[smem:$0x3FA8] =	sst s10  }
0x35: {  	s10 =	sld [smem:$0x3FA7];
	_ =	sdelay $0x3  }
0x36: {  	p1 =	seq.s32 s10, $0x1;
	s10 =	sld [smem:$0x3FA8];
	_ =	sdelay $0x3  }
0x37: {  	[smem:$0x3FA8] =	sst s10  }
0x38: {  	s10 =	sld [smem:$0x3FA9]  }
0x39: {  	_ = 	snop;
	(pc) =	sbr.ind lr, $3  }
0x3a: {  	_ = 	snop  }
0x3b: {  	_ = 	snop  }
0x3c: {  	p2 =	seq.s32 s10, $0x1;
	s10 =	sld [smem:$0x3FA8]  }
0x3d: {  	_ =	shalt  }
0x3e: {  	_ =	shalt  }
0x3f: {  	_ =	shalt  }
0x40: {  	_ =	shalt  }
0x41: {  	_ =	shalt  }
0x42: {  	_ =	shalt  }
0x43: {  	_ =	shalt  }
0x44: {  	_ =	shalt  }
0x45: {  	_ =	shalt  }
0x46: {  	_ =	shalt  }
0x47: {  	_ =	shalt  }
0x48: {  	_ =	shalt  }
0x49: {  	_ =	shalt  }
0x4a: {  	_ =	shalt  }
0x4b: {  	_ =	shalt  }
0x4c: {  	_ =	shalt  }
0x4d: {  	_ =	shalt  }
0x4e: {  	_ =	shalt  }
0x4f: {  	_ =	shalt  }
0x50: {  	_ =	shalt  }
0x51: {  	_ =	shalt  }
0x52: {  	_ =	shalt  }
0x53: {  	_ =	shalt  }
0x54: {  	_ =	shalt  }
0x55: {  	_ =	shalt  }
0x56: {  	_ =	shalt  }
0x57: {  	_ =	shalt  }
0x58: {  	_ =	shalt  }
0x59: {  	_ =	shalt  }
0x5a: {  	_ =	shalt  }
0x5b: {  	_ =	shalt  }
0x5c: {  	_ =	shalt  }
0x5d: {  	_ =	shalt  }
0x5e: {  	_ =	shalt  }
0x5f: {  	_ =	shalt  }
0x60: {  	_ =	shalt  }
0x61: {  	_ =	shalt  }
0x62: {  	_ =	shalt  }
0x63: {  	_ =	shalt  }
0x64: {  	_ =	shalt  }
0x65: {  	_ =	shalt  }
0x66: {  	_ =	shalt  }
0x67: {  	_ =	shalt  }
0x68: {  	_ =	shalt  }
0x69: {  	_ =	shalt  }
0x6a: {  	_ =	shalt  }
0x6b: {  	_ =	shalt  }
0x6c: {  	_ =	shalt  }
0x6d: {  	_ =	shalt  }
0x6e: {  	_ =	shalt  }
0x6f: {  	_ =	shalt  }
0x70: {  	_ =	shalt  }
0x71: {  	_ =	shalt  }
0x72: {  	_ =	shalt  }
0x73: {  	_ =	shalt  }
0x74: {  	_ =	shalt  }
0x75: {  	_ =	shalt  }
0x76: {  	_ =	shalt  }
0x77: {  	_ =	shalt  }
0x78: {  	_ =	shalt  }
0x79: {  	_ =	shalt  }
0x7a: {  	_ =	shalt  }
0x7b: {  	_ =	shalt  }
0x7c: {  	_ =	shalt  }
0x7d: {  	_ =	shalt  }
0x7e: {  	_ =	shalt  }
0x7f: {  	_ =	shalt  }
0x80: {  	_ =	shalt  }
0x81: {  	_ =	shalt  }
0x82: {  	_ =	shalt  }
0x83: {  	_ =	shalt  }
0x84: {  	_ =	shalt  }
0x85: {  	_ =	shalt  }
0x86: {  	_ =	shalt  }
0x87: {  	_ =	shalt  }
.Lfunc_end0:
.L_simem_size_0:
called_computation.1_lowered:
.L_overlay_start_0:
0x88: {  	s2 =	sld [smem:$0x3FD9]  }
0x89: {  	s3 =	sld [smem:$0x3FFE];
	_ =	sdelay $0x1  }
0x8a: {  	s1 =	srdreg.scid  }
0x8b: {  	s0 =	sand.u32 $0x1, s1  }
0x8c: {  	s16 =	sshll.u32 s0, $0xA;
	s2 =	sadd.s32 s3, s2  }
0x8d: {  	s2 =	sadd.s32 s2, s16  }
0x8e: {  	[smem:$0x3FB4] =	sst s2  }
0x8f: {  	_ = 	snop  }
0x90: {  	(tm) =	ssettm $0x1  }
0x91: {  	s17 =	sld [smem:$0x3FFB];
	_ =	sdelay $0x3  }
0x92: {  	_ =	strace s17  }
0x93: {  	s2 =	sld [smem:$0x3FFC];
	_ =	sdelay $0x3  }
0x94: {  	_ =	strace s2  }
0x95: {  	s2 =	sld [smem:$0x3FFD];
	_ =	sdelay $0x3  }
0x96: {  	_ =	strace s2  }
0x97: {  	_ =	strace $0x8FFFFFFF  }
0x98: {  	s18 =	sld [smem:$0x3FDB];
	_ =	sdelay $0x1  }
0x99: {  	s19 =	simm.s32 $_scs_section_size  }
0x9a: {  	s4 =	simm.s32 $_size__tile_overlayer_lowered;
	s5 =	simm.s32 $_tile_overlayer_lowered  }
0x9b: {  	s22 =	simm.s32 $0x1BFF;
	s21 =	sshll.u32 s5, $0x1;
	s2 =	sadd.s32 s19, s18  }
0x9c: {  	s6 =	simm.s32 $0x0;
	s20 =	sshll.u32 s4, $0x1;
	s4 =	sadd.s32 s21, s2  }
0x9d: {  	[timem:s6], [sflag:s22] =	dma.local [hbm:s4], s20  }
0x9e: {  	_ =	swait.ge [sflag:s22], s20  }
0x9f: {  	s3 =	ssub.s32 $0x0, s20;
	[sflag:s22] =	ssyncset.done $0x0  }
0xa0: {  	[sflag:s22] =	ssyncadd.s32 s3;
	_ =	sdelay $0x1  }
0xa1: {  	s23 =	simm.s32 $0x1B8B  }
0xa2: {  	_ =	swait.ge [sflag:s23], $0x1  }
0xa3: {  	[sflag:s23] =	ssyncset.done $0x0  }
0xa4: {  	s25 =	simm.s32 $0x1B8E;
	s24 =	sld [smem:$0x3FFE];
	[sflag:s23] =	ssyncadd.s32 $0xFFFFFFFF  }
0xa5: {  	s26 =	simm.s32 $execute0_lowered;
	[smem:$0x3FD2] =	sst s25  }
0xa6: {  	s4 =	sshll.u32 s26, $0x1;
	_ =	strace $0x80000049;
	[dreg:$0x1] =	wrdreg $0xFFFFFFFF  }
0xa7: {  	s28 =	simm.s32 $_size_execute0_lowered;
	s2 =	sadd.s32 s2, s4;
	[dreg:$0x0] =	wrdreg $0x0  }
0xa8: {  	s4 =	sshll.u32 s28, $0x1;
	[dreg:$0x2] =	wrdreg s2  }
0xa9: {  	[dreg:$0x3] =	wrdreg s4  }
0xaa: {  	[dreg:$0x4] =	wrdreg $0xC0  }
0xab: {  	_ =	task [dreg:s6], $0x5FFFF  }
0xac: {  	[dreg:$0x1] =	wrdreg $0xFFFFFFFF  }
0xad: {  	[dreg:$0x0] =	wrdreg $0x60  }
0xae: {  	[dreg:$0x2] =	wrdreg s24  }
0xaf: {  	[dreg:$0x3] =	wrdreg $0x30000  }
0xb0: {  	[dreg:$0x4] =	wrdreg $0x9  }
0xb1: {  	_ =	task.clear_ibuf [dreg:s6], $0x5FFFF;
	_ =	strace $0x90000049  }
0xb2: {  	s29 =	simm.s32 $0x9;
	_ =	strace $0x8000004B  }
0xb3: {  	_ =	swait.ge [sflag:s29], $0x1  }
0xb4: {  	[sflag:s29] =	ssyncadd.s32 $0xFFFFFFFF  }
0xb5: {  	_ =	strace $0x9000004B  }
0xb6: {  	_ =	sfence  }
0xb7: {  	s30 =	sld [smem:$0x0];
	_ =	sdelay $0x2  }
0xb8: {  	s31 =	sshll.u32 s1, $0xD;
	s1 =	sshrl.u32 s1, $0x2  }
0xb9: {  	s3 =	sand.u32 $0x4000, s31;
	s1 =	sadd.s32 s1, s30  }
0xba: {  	s0 =	sor.u32 s3, s0;
	s1 =	sshll.u32 s1, $0x11  }
0xbb: {  	s0 =	sor.u32 s1, s0  }
0xbc: {  	s0 =	sadd.s32 $0x8F2B, s0  }
0xbd: {  	[sflag:s0] =	ssyncadd.remote.s32 $0x1  }
0xbe: {  	_ =	sfence.sel $0xFFFF  }
0xbf: {  	[dreg:$0x0] =	wrdreg $0xFFFFFFFF;
	(pc) =	sbr.abs _section_cstart, $3  }
0xc0: {  	[dreg:$0x1] =	wrdreg $0xFFFFFFFF  }
0xc1: {  	_ =	task.clear_ibuf [dreg:s6], $0x2FFFF;
	_ =	strace $0x9FFFFFFF  }
0xc2: {  	(tm) =	ssettm $0x7FFFFFFF  }
0xc3: {  	_ =	shalt  }
tec
execute0_lowered:
.L_overlay_start_1:
0x0: {  	(tag) =	ssettag $0x1  }
0x1: {  	s5 =	rddreg [dreg:$0x0]  }
0x2: {  	s2 =	rddreg [dreg:$0x1]  }
0x3: {  	s3 =	srdreg.scid;
	s1 =	stileid.u32  }
0x4: {  	s0 =	rddreg [dreg:$0x2];
	s16 =	simm.s32 $0xC00;
	s17 =	simm.s32 $0x1000  }
0x5: {  	s18 =	simm.s32 $0x0;
	s7 =	sand.u32 $0x1, s3;
	s4 =	sshll.u32 s1, $0x1  }
0x6: {  	s3 =	simm.s32 $0x0;
	s8 =	smul.u32 $0xA000, s1;
	s30 =	sshll.u32 s1, $0x6  }
0x7: {  	s15 =	smul.u32 $0x32000, s1;
	s6 =	sor.u32 s7, s4;
	[smem:$0x7FF] =	sst s3  }
0x8: {  	s10 =	smul.u32 $0xA0000, s7;
	s4 =	sadd.s32 $0xABA00, s5;
	s12 =	ssub.s32 $0x2, s7  }
0x9: {  	s31 =	smul.u32 $0x19000, s7;
	s9 =	sshll.u32 s6, $0x9;
	_ =	strace $0x8000004A  }
0xa: {  	s11 =	sshrl.u32 s8, $0x3;
	s13 =	sshrl.u32 s12, $0x1;
	s29 =	smul.u32 $0x3200, s6  }
0xb: {  	s14 =	sadd.s32 s8, s2;
	s6 =	sor.u32 $0x1C02, s30;
	s9 =	sadd.s32 s9, s5  }
0xc: {  	s10 =	sadd.s32 s8, s10;
	s11 =	sadd.s32 s11, s5;
	s12 =	ssub.s32 s12, s13  }
0xd: {  	s13 =	simm.s32 $0x2;
	s10 =	sshrl.u32 s10, $0x3;
	s7 =	sadd.s32 $0x43A00, s9  }
0xe: {  	s8 =	sadd.s32 s4, s29;
	s10 =	sadd.s32 s10, s5;
	s5 =	sadd.s32 $0x11A00, s11  }
0xf: {  	s11 =	sadd.s32 s31, s15;
	s15 =	simm.s32 $0x80;
	s9 =	sadd.s32 $0x47A00, s10  }
0x10: {  	s10 =	smax.u32 s12, $0x1;
	s12 =	sshrl.u32 s14, $0x3;
	s14 =	simm.s32 $0x1  }
.LBB2_1:
0x11: {  	[spmem:s12], [sflag:s6] =	dma.local [hbm:s5], $0x1400  }
0x12: {  	_ =	swait.ge [sflag:s13], $0x1400  }
0x13: {  	[sflag:s13] =	ssyncset.done $0x0  }
0x14: {  	[sflag:s13] =	ssyncadd.s32 $0xFFFFEC00  }
0x15: {  	[tilespmem:s3], [sflag:$0x2] =	stream.linear.gather [hbm4b:s7+s3], $0x1000, $0x38;
	[tilespmem:$0xD000] =	vst v63  }
0x16: {  	_ =	swait.ge [sflag:s13], $0x1000  }
0x17: {  	[sflag:s13] =	ssyncset.done $0x0  }
0x18: {  	s19 =	sadd.s32 $0x1000, s11;
	[sflag:s13] =	ssyncadd.s32 $0xFFFFF000  }
0x19: {  	s20 =	sand.u32 $0x1000, s17;
	s19 =	sshrl.u32 s19, $0x3;
	[bflag:$0x0] =	sbarrier.arrive $0xFFFF  }
0x1a: {  	[tilespmem:s17], [sflag:$0x1] =	stream.linear.gather [hbm4b:s8+s3], $0x1000, $0x38;
	[tilespmem:$0xD000] =	vst v63  }
0x1b: {  	s20 =	sadd.s32 $0x1000, s20;
	s19 =	sadd.s32 s4, s19  }
0x1c: {  	[tilespmem:s20], [sflag:$0x1] =	stream.linear.gather [hbm4b:s19+s3], $0x1000, $0x38;
	[tilespmem:$0xD000] =	vst v63  }
0x1d: {  	s31 =	simm.s32 $0x0;
	_ =	swait.ge [sflag:s14], $0x1000  }
0x1e: {  	s21 =	simm.s32 $0x3000;
	s20 =	sand.u32 $0x1000, s31;
	[sflag:s14] =	ssyncset.done $0x0  }
0x1f: {  	s23 =	sadd.s32 $0x2000, s11;
	s20 =	sadd.s32 $0x1000, s20;
	[sflag:s14] =	ssyncadd.s32 $0xFFFFF000  }
0x20: {  	[spmem:s2] =	stream.indirect.scatter.add.f32 [tilespmem:s20], [sflag:$0x2], $0x20, s3, s15, $0xb8;
	[tilespmem:$0xD000] =	vst v63  }
0x21: {  	s23 =	sshrl.u32 s23, $0x3;
	s19 =	simm.s32 $0x2000;
	_ =	swait.ge [sflag:s13], $0x1000  }
0x22: {  	s22 =	sand.u32 $0x1000, s19;
	s20 =	simm.s32 $0x80;
	[sflag:s13] =	ssyncset.done $0x0  }
.LBB2_2:
0x23: {  	s22 =	sadd.s32 $0x1000, s22;
	s23 =	sadd.s32 s4, s23;
	[sflag:s13] =	ssyncadd.s32 $0xFFFFF000  }
0x24: {  	s24 =	smov.u32 s19;
	s19 =	smov.u32 s21;
	s25 =	sadd.s32 $0x1000, s21  }
0x25: {  	[tilespmem:s22], [sflag:$0x1] =	stream.linear.gather [hbm4b:s23+s3], $0x1000, $0x38;
	[tilespmem:$0xD000] =	vst v63  }
0x26: {  	p0 =	sne.s32 s21, $0x18000;
	s22 =	sadd.s32 $0xFFFFF000, s24;
	_ =	swait.ge [sflag:s14], $0x1000  }
.Ltmp0:
0x27: {  	s22 =	sand.u32 $0x1000, s22;
	[sflag:s14] =	ssyncset.done $0x0;
	(pc) =	sbr.rel @p0 .LBB2_2-.Ltmp0, $4  }
0x28: {  	s21 =	sadd.s32 $0x1000, s22;
	s22 =	sand.u32 $0x1000, s19;
	[sflag:s14] =	ssyncadd.s32 $0xFFFFF000  }
0x29: {  	[spmem:s2] =	stream.indirect.scatter.add.f32 [tilespmem:s21], [sflag:$0x2], $0x20, s20, s15, $0xb8;
	[tilespmem:$0xD000] =	vst v63  }
0x2a: {  	s21 =	sadd.s32 s19, s11;
	s20 =	sadd.s32 $0x80, s20;
	_ =	swait.ge [sflag:s13], $0x1000  }
0x2b: {  	s23 =	sshrl.u32 s21, $0x3;
	s21 =	smov.u32 s25;
	[sflag:s13] =	ssyncset.done $0x0  }
0x2c: {  	s21 =	sadd.s32 $0x1000, s22;
	s31 =	sadd.s32 s4, s23;
	[sflag:s13] =	ssyncadd.s32 $0xFFFFF000  }
0x2d: {  	[tilespmem:s21], [sflag:$0x1] =	stream.linear.gather [hbm4b:s31+s3], $0x1000, $0x38;
	[tilespmem:$0xD000] =	vst v63  }
0x2e: {  	s19 =	sadd.s32 $0xFFFFF000, s19;
	_ =	swait.ge [sflag:s14], $0x1000  }
0x2f: {  	s19 =	sand.u32 $0x1000, s19;
	[sflag:s14] =	ssyncset.done $0x0  }
0x30: {  	s19 =	sadd.s32 $0x1000, s19;
	[sflag:s14] =	ssyncadd.s32 $0xFFFFF000  }
0x31: {  	[spmem:s2] =	stream.indirect.scatter.add.f32 [tilespmem:s19], [sflag:$0x2], $0x20, s20, s15, $0xb8;
	[tilespmem:$0xD000] =	vst v63  }
0x32: {  	_ =	swait.ge [sflag:s13], $0x1000  }
0x33: {  	[sflag:s13] =	ssyncset.done $0x0  }
0x34: {  	[sflag:s13] =	ssyncadd.s32 $0xFFFFF000  }
0x35: {  	_ =	swait.ge [sflag:s14], $0x1000  }
0x36: {  	[sflag:s14] =	ssyncset.done $0x0  }
0x37: {  	[sflag:s14] =	ssyncadd.s32 $0xFFFFF000  }
0x38: {  	[spmem:s2] =	stream.indirect.scatter.add.f32 [tilespmem:s17], [sflag:$0x2], $0x20, s16, s15, $0xb8;
	[tilespmem:$0xD000] =	vst v63  }
0x39: {  	_ =	swait.ge [sflag:s13], $0x1000  }
0x3a: {  	s18 =	sadd.s32 $0x1, s18;
	[sflag:s13] =	ssyncset.done $0x0  }
0x3b: {  	p0 =	sne.s32 s18, s10;
	[sflag:s13] =	ssyncadd.s32 $0xFFFFF000  }
.Ltmp1:
0x3c: {  	[bflag:$0x0] =	sbarrier.arrive $0xFFFF;
	(pc) =	sbr.rel @p0 .LBB2_1-.Ltmp1, $4  }
0x3d: {  	[hbm:s9], [sflag:s6] =	dma.local [spmem:s12], $0x1400  }
0x3e: {  	_ =	swait.ge [sflag:s13], $0x1400  }
0x3f: {  	[sflag:s13] =	ssyncset.done $0x0  }
0x40: {  	[sflag:s13] =	ssyncadd.s32 $0xFFFFEC00  }
0x41: {  	_ =	sfence.sel $0x180000  }
0x42: {  	[bflag:$0x0] =	sbarrier.arrive $0xFFFF  }
0x43: {  	p0 =	sne.s32 s1, $0x0;
	_ =	strace $0x9000004A  }
0x44: {  	s0 =	sadd.s32 @!p0 $0x100000, s0;
	[bflag:$0x2] =	sbarrier.arrive $0xFFFF  }
0x45: {  	[sflag:s0] =	ssyncadd.tile.s32 @!p0 $0x1;
	_ =	shalt  }
.Lfunc_end2:
_tile_overlayer_lowered:
.L_overlay_start_2:
0x46: {  	(tag) =	ssettag $0x2  }
0x47: {  	s0 =	rddreg [dreg:$0x0];
	s2 =	stileid.u32  }
0x48: {  	s1 =	rddreg [dreg:$0x1];
	p0 =	sne.s32 s2, $0x0  }
0x49: {  	s3 =	rddreg [dreg:$0x2];
	[bflag:$0x3] =	sbarrier.arrive $0xFFFF;
	s2 =	simm.s32 @!p0 $0x1C02  }
0x4a: {  	[timem:s3], [sflag:s2] =	dma.local @!p0 [hbm:s0], s1  }
0x4b: {  	s0 =	simm.s32 @!p0 $0x2  }
0x4c: {  	_ =	swait.ge @!p0 [sflag:s0], s1  }
0x4d: {  	s1 =	ssub.s32 @!p0 $0x0, s1;
	[sflag:s0] =	ssyncset.done @!p0 $0x0  }
0x4e: {  	[sflag:s0] =	ssyncadd.s32 @!p0 s1  }
0x4f: {  	[bflag:$0x3] =	sbarrier.arrive $0xFFFF  }
0x50: {  	_ =	shalt  }

// kernel: kernel.16.cloned.1.call-start
scs
__scs_entry_jumppad:
0x0: {  	(pc) =	sbr.rel $0x88, $3  }
0x1: {  	(tag) =	ssettag $0x0;
	lr =	simm.s32 $0x1  }
0x2: {  	[smem:$0x3F8D] =	sst lr;
	_ =	strace $0xD0000000  }
0x3: {  	_ = 	snop  }
0x4: {  	_ = 	snop  }
0x5: {  	_ = 	snop  }
0x6: {  	_ = 	snop  }
0x7: {  	_ = 	snop  }
__scs_overlays_trampoline_lowered:
0x8: {  	[smem:$0x3F9C] =	sst s0  }
0x9: {  	[smem:$0x3F9D] =	sst s1  }
0xa: {  	[smem:$0x3F9E] =	sst s2  }
0xb: {  	[smem:$0x3F9F] =	sst s3  }
0xc: {  	[smem:$0x3FA0] =	sst s4  }
0xd: {  	[smem:$0x3FA1] =	sst s5  }
0xe: {  	[smem:$0x3FA2] =	sst s6  }
0xf: {  	[smem:$0x3FA3] =	sst s7  }
0x10: {  	[smem:$0x3FA4] =	sst s8  }
0x11: {  	[smem:$0x3FA5] =	sst s9;
	s0 =	simm.s32 @!p0 $0x0  }
0x12: {  	s1 =	sld [smem:$0x3F8B];
	s0 =	simm.s32 @p0 $0x1  }
0x13: {  	[smem:$0x3FA6] =	sst s0;
	s0 =	simm.s32 @!p1 $0x0  }
0x14: {  	s2 =	sld [smem:$0x3F8A];
	s0 =	simm.s32 @p1 $0x1  }
0x15: {  	[smem:$0x3FA7] =	sst s0;
	s0 =	simm.s32 @!p2 $0x0  }
0x16: {  	s3 =	sld [smem:$0x3FDB];
	s0 =	simm.s32 @p2 $0x1  }
0x17: {  	s4 =	simm.s32 $0x1BF5;
	[smem:$0x3FA9] =	sst s0  }
0x18: {  	s0 =	sld [smem:$0x3F8C];
	_ =	swait.ge [sflag:s4], $0x0  }
0x19: {  	s7 =	sld [smem:$0x3F8D]  }
0x1a: {  	s8 =	sadd.s32 $0xFFFFE003, lr  }
0x1b: {  	s9 =	sadd.s32 $0xFFFFFEF7, lr;
	s5 =	simm.s32 $0xFFFFFFFF;
	p2 =	slt.u32 s8, $0xFFFFF086  }
0x1c: {  	p1 =	slt.u32 s9, $0xF7A;
	s5 =	simm.s32 @!p2 $0x0  }
0x1d: {  	s5 =	simm.s32 @p1 $0x1;
	p0 =	seq.s32 s7, s2  }
0x1e: {  	s7 =	smul.u32 @!p0 $0xF7A, s2;
	p2 =	seq.s32 @!p0 s5, $0x0  }
0x1f: {  	s9 =	smul.u32 $0xF7A, s1;
	s8 =	simm.s32 @!p0 $0x1BF5;
	p2 =	por !p2, p0  }
0x20: {  	[sflag:s8] =	ssyncset.s32 @!p0 $0xFFFFF086;
	s6 =	sadd.s32 @!p0 s3, s7;
	s7 =	simm.s32 @!p0 $0x108  }
0x21: {  	s3 =	sadd.s32 s3, s9;
	s6 =	sadd.s32 @!p0 $0x88, s6;
	s7 =	simm.s32 @p2 $0x1082  }
0x22: {  	[simem:s7], [sflag:s8] =	dma.local @!p0 [hbm:s6], $0xF7A  }
0x23: {  	s9 =	sor.u32 $0xD0000000, s2;
	s6 =	simm.s32 $0x108;
	_ =	swait.ge @!p0 [sflag:s8], $0x0  }
0x24: {  	s3 =	sadd.s32 $0x88, s3;
	s6 =	simm.s32 @!p1 $0x1082;
	[sflag:s4] =	ssyncset.s32 $0xFFFFF086  }
0x25: {  	[simem:s6], [sflag:s4] =	dma.local [hbm:s3], $0xF7A  }
0x26: {  	[smem:$0x3F8D] =	sst s1;
	(tag) =	ssettag s2;
	_ =	strace s9  }
0x27: {  	s1 =	sld [smem:$0x3F9D]  }
0x28: {  	s2 =	sld [smem:$0x3F9E]  }
0x29: {  	s4 =	sld [smem:$0x3FA0]  }
0x2a: {  	p0 =	seq.s32 s5, $0x0;
	s5 =	sld [smem:$0x3FA1]  }
0x2b: {  	s6 =	sld [smem:$0x3FA2]  }
0x2c: {  	s7 =	sld [smem:$0x3FA3]  }
0x2d: {  	s3 =	simm.s32 $0x108;
	s8 =	sld [smem:$0x3FA4]  }
0x2e: {  	s3 =	simm.s32 @!p0 $0x1082;
	s9 =	sld [smem:$0x3FA5]  }
0x2f: {  	lr =	sadd.s32 s0, s3;
	s0 =	sld [smem:$0x3F9C]  }
0x30: {  	s3 =	sld [smem:$0x3F9F]  }
0x31: {  	[smem:$0x3FA8] =	sst s10  }
0x32: {  	s10 =	sld [smem:$0x3FA6];
	_ =	sdelay $0x3  }
0x33: {  	p0 =	seq.s32 s10, $0x1;
	s10 =	sld [smem:$0x3FA8];
	_ =	sdelay $0x3  }
0x34: {  	[smem:$0x3FA8] =	sst s10  }
0x35: {  	s10 =	sld [smem:$0x3FA7];
	_ =	sdelay $0x3  }
0x36: {  	p1 =	seq.s32 s10, $0x1;
	s10 =	sld [smem:$0x3FA8];
	_ =	sdelay $0x3  }
0x37: {  	[smem:$0x3FA8] =	sst s10  }
0x38: {  	s10 =	sld [smem:$0x3FA9]  }
0x39: {  	_ = 	snop;
	(pc) =	sbr.ind lr, $3  }
0x3a: {  	_ = 	snop  }
0x3b: {  	_ = 	snop  }
0x3c: {  	p2 =	seq.s32 s10, $0x1;
	s10 =	sld [smem:$0x3FA8]  }
0x3d: {  	_ =	shalt  }
0x3e: {  	_ =	shalt  }
0x3f: {  	_ =	shalt  }
0x40: {  	_ =	shalt  }
0x41: {  	_ =	shalt  }
0x42: {  	_ =	shalt  }
0x43: {  	_ =	shalt  }
0x44: {  	_ =	shalt  }
0x45: {  	_ =	shalt  }
0x46: {  	_ =	shalt  }
0x47: {  	_ =	shalt  }
0x48: {  	_ =	shalt  }
0x49: {  	_ =	shalt  }
0x4a: {  	_ =	shalt  }
0x4b: {  	_ =	shalt  }
0x4c: {  	_ =	shalt  }
0x4d: {  	_ =	shalt  }
0x4e: {  	_ =	shalt  }
0x4f: {  	_ =	shalt  }
0x50: {  	_ =	shalt  }
0x51: {  	_ =	shalt  }
0x52: {  	_ =	shalt  }
0x53: {  	_ =	shalt  }
0x54: {  	_ =	shalt  }
0x55: {  	_ =	shalt  }
0x56: {  	_ =	shalt  }
0x57: {  	_ =	shalt  }
0x58: {  	_ =	shalt  }
0x59: {  	_ =	shalt  }
0x5a: {  	_ =	shalt  }
0x5b: {  	_ =	shalt  }
0x5c: {  	_ =	shalt  }
0x5d: {  	_ =	shalt  }
0x5e: {  	_ =	shalt  }
0x5f: {  	_ =	shalt  }
0x60: {  	_ =	shalt  }
0x61: {  	_ =	shalt  }
0x62: {  	_ =	shalt  }
0x63: {  	_ =	shalt  }
0x64: {  	_ =	shalt  }
0x65: {  	_ =	shalt  }
0x66: {  	_ =	shalt  }
0x67: {  	_ =	shalt  }
0x68: {  	_ =	shalt  }
0x69: {  	_ =	shalt  }
0x6a: {  	_ =	shalt  }
0x6b: {  	_ =	shalt  }
0x6c: {  	_ =	shalt  }
0x6d: {  	_ =	shalt  }
0x6e: {  	_ =	shalt  }
0x6f: {  	_ =	shalt  }
0x70: {  	_ =	shalt  }
0x71: {  	_ =	shalt  }
0x72: {  	_ =	shalt  }
0x73: {  	_ =	shalt  }
0x74: {  	_ =	shalt  }
0x75: {  	_ =	shalt  }
0x76: {  	_ =	shalt  }
0x77: {  	_ =	shalt  }
0x78: {  	_ =	shalt  }
0x79: {  	_ =	shalt  }
0x7a: {  	_ =	shalt  }
0x7b: {  	_ =	shalt  }
0x7c: {  	_ =	shalt  }
0x7d: {  	_ =	shalt  }
0x7e: {  	_ =	shalt  }
0x7f: {  	_ =	shalt  }
0x80: {  	_ =	shalt  }
0x81: {  	_ =	shalt  }
0x82: {  	_ =	shalt  }
0x83: {  	_ =	shalt  }
0x84: {  	_ =	shalt  }
0x85: {  	_ =	shalt  }
0x86: {  	_ =	shalt  }
0x87: {  	_ =	shalt  }
.Lfunc_end0:
.L_simem_size_0:
called_computation.2_lowered:
.L_overlay_start_0:
0x88: {  	s2 =	sld [smem:$0x3FD9]  }
0x89: {  	s3 =	sld [smem:$0x3FFE];
	_ =	sdelay $0x1  }
0x8a: {  	s1 =	srdreg.scid  }
0x8b: {  	s0 =	sand.u32 $0x1, s1  }
0x8c: {  	s16 =	sshll.u32 s0, $0xA;
	s2 =	sadd.s32 s3, s2  }
0x8d: {  	s2 =	sadd.s32 s2, s16  }
0x8e: {  	[smem:$0x3FB4] =	sst s2  }
0x8f: {  	_ = 	snop  }
0x90: {  	(tm) =	ssettm $0x1  }
0x91: {  	s17 =	sld [smem:$0x3FFB];
	_ =	sdelay $0x3  }
0x92: {  	_ =	strace s17  }
0x93: {  	s2 =	sld [smem:$0x3FFC];
	_ =	sdelay $0x3  }
0x94: {  	_ =	strace s2  }
0x95: {  	s2 =	sld [smem:$0x3FFD];
	_ =	sdelay $0x3  }
0x96: {  	_ =	strace s2  }
0x97: {  	_ =	strace $0x8FFFFFFF  }
0x98: {  	s18 =	sld [smem:$0x3FDB];
	_ =	sdelay $0x1  }
0x99: {  	s19 =	simm.s32 $_scs_section_size  }
0x9a: {  	s4 =	simm.s32 $_size__tile_overlayer_lowered;
	s5 =	simm.s32 $_tile_overlayer_lowered  }
0x9b: {  	s22 =	simm.s32 $0x1BFF;
	s21 =	sshll.u32 s5, $0x1;
	s2 =	sadd.s32 s19, s18  }
0x9c: {  	s6 =	simm.s32 $0x0;
	s20 =	sshll.u32 s4, $0x1;
	s4 =	sadd.s32 s21, s2  }
0x9d: {  	[timem:s6], [sflag:s22] =	dma.local [hbm:s4], s20  }
0x9e: {  	_ =	swait.ge [sflag:s22], s20  }
0x9f: {  	s3 =	ssub.s32 $0x0, s20;
	[sflag:s22] =	ssyncset.done $0x0  }
0xa0: {  	[sflag:s22] =	ssyncadd.s32 s3;
	_ =	sdelay $0x1  }
0xa1: {  	s23 =	simm.s32 $0x1B8B  }
0xa2: {  	_ =	swait.ge [sflag:s23], $0x1  }
0xa3: {  	[sflag:s23] =	ssyncset.done $0x0  }
0xa4: {  	s25 =	simm.s32 $0x1B8E;
	s24 =	sld [smem:$0x3FFE];
	[sflag:s23] =	ssyncadd.s32 $0xFFFFFFFF  }
0xa5: {  	s26 =	simm.s32 $execute0_lowered;
	[smem:$0x3FD2] =	sst s25  }
0xa6: {  	s4 =	sshll.u32 s26, $0x1;
	_ =	strace $0x8000004C;
	[dreg:$0x1] =	wrdreg $0xFFFFFFFF  }
0xa7: {  	s28 =	simm.s32 $_size_execute0_lowered;
	s2 =	sadd.s32 s2, s4;
	[dreg:$0x0] =	wrdreg $0x0  }
0xa8: {  	s4 =	sshll.u32 s28, $0x1;
	[dreg:$0x2] =	wrdreg s2  }
0xa9: {  	[dreg:$0x3] =	wrdreg s4  }
0xaa: {  	[dreg:$0x4] =	wrdreg $0xC0  }
0xab: {  	_ =	task [dreg:s6], $0x5FFFF  }
0xac: {  	[dreg:$0x1] =	wrdreg $0xFFFFFFFF  }
0xad: {  	[dreg:$0x0] =	wrdreg $0x60  }
0xae: {  	[dreg:$0x2] =	wrdreg s24  }
0xaf: {  	[dreg:$0x3] =	wrdreg $0x9  }
0xb0: {  	_ =	task.clear_ibuf [dreg:s6], $0x4FFFF;
	_ =	strace $0x9000004C  }
0xb1: {  	s29 =	simm.s32 $0x9;
	_ =	strace $0x8000004E  }
0xb2: {  	_ =	swait.ge [sflag:s29], $0x1  }
0xb3: {  	[sflag:s29] =	ssyncadd.s32 $0xFFFFFFFF  }
0xb4: {  	_ =	strace $0x9000004E  }
0xb5: {  	_ =	sfence  }
0xb6: {  	s30 =	sld [smem:$0x0];
	_ =	sdelay $0x2  }
0xb7: {  	s31 =	sshll.u32 s1, $0xD;
	s1 =	sshrl.u32 s1, $0x2  }
0xb8: {  	s3 =	sand.u32 $0x4000, s31;
	s1 =	sadd.s32 s1, s30  }
0xb9: {  	s0 =	sor.u32 s3, s0;
	s1 =	sshll.u32 s1, $0x11  }
0xba: {  	s0 =	sor.u32 s1, s0  }
0xbb: {  	s0 =	sadd.s32 $0x8F2B, s0  }
0xbc: {  	[sflag:s0] =	ssyncadd.remote.s32 $0x1  }
0xbd: {  	_ =	sfence.sel $0xFFFF  }
0xbe: {  	[dreg:$0x0] =	wrdreg $0xFFFFFFFF;
	(pc) =	sbr.abs _section_cstart, $3  }
0xbf: {  	[dreg:$0x1] =	wrdreg $0xFFFFFFFF  }
0xc0: {  	_ =	task.clear_ibuf [dreg:s6], $0x2FFFF;
	_ =	strace $0x9FFFFFFF  }
0xc1: {  	(tm) =	ssettm $0x7FFFFFFF  }
tec
execute0_lowered:
.L_overlay_start_1:
0x0: {  	(tag) =	ssettag $0x1  }
0x1: {  	s0 =	srdreg.scid  }
0x2: {  	s4 =	sand.u32 $0x1, s0  }
0x3: {  	s0 =	smul.u32 $0xFFFFFFF6, s4  }
0x4: {  	s5 =	rddreg [dreg:$0x0];
	s1 =	stileid.u32  }
0x5: {  	s3 =	simm.s32 $0x0;
	s7 =	smul.u32 $0x3C000, s4;
	s2 =	sadd.s32 $0x1E, s0  }
0x6: {  	[smem:$0x7FF] =	sst s3;
	s9 =	sshll.u32 s1, $0x9;
	s6 =	smul.u32 s2, s1  }
0x7: {  	s8 =	ssub.s32 $0x2, s4;
	s9 =	sadd.s32 s9, s5;
	s30 =	sshll.u32 s4, $0xD  }
0x8: {  	s4 =	sadd.s32 $0x11A00, s5;
	s29 =	sshrl.u32 s8, $0x1;
	s6 =	sshll.u32 s6, $0x9  }
0x9: {  	s0 =	rddreg [dreg:$0x1];
	_ =	strace $0x8000004D;
	s6 =	sadd.s32 s7, s6  }
0xa: {  	s7 =	ssub.s32 s8, s29;
	s8 =	sadd.s32 s30, s9;
	s6 =	sand.u32 $0x1FFFFC00, s6  }
0xb: {  	s9 =	simm.s32 $0x0;
	s31 =	sadd.s32 s6, s5;
	s5 =	sadd.s32 $0xDA00, s8  }
0xc: {  	s6 =	smax.u32 s7, $0x1;
	s8 =	simm.s32 $0x2;
	s7 =	sadd.s32 $0x47A00, s31  }
.LBB2_1:
0xd: {  	[tilespmem:s3], [sflag:$0x2] =	stream.linear.gather [hbm4b:s5+s3], $0x1000, $0x38;
	[tilespmem:$0x1F000] =	vst v63  }
0xe: {  	_ =	swait.ge [sflag:s8], $0x1000  }
0xf: {  	s10 =	simm.s32 $0x1000;
	s11 =	simm.s32 $0x0;
	[sflag:s8] =	ssyncset.done $0x0  }
0x10: {  	s12 =	simm.s32 $0x1000;
	s13 =	simm.s32 $0x0;
	[sflag:s8] =	ssyncadd.s32 $0xFFFFF000  }
.LBB2_2:
0x11: {  	p0 =	sge.u32 s13, s2  }
0x12: {  	s13 =	sadd.s32 $0x1, s13;
	s14 =	simm.s32 @!p0 $0x80  }
0x13: {  	[tilespmem:s12], [sflag:$0x1] =	stream.indirect.gather @!p0 [hbm4b:s4+s14], $0x20, s11, s14, $0xb8;
	[tilespmem:$0x1F000] =	vst v63  }
0x14: {  	p0 =	sne.s32 s13, $0x1E  }
.Ltmp0:
0x15: {  	_ = 	snop;
	(pc) =	sbr.rel @p0 .LBB2_2-.Ltmp0, $2  }
0x16: {  	_ =	sdelay $0x2  }
0x17: {  	s12 =	sadd.s32 $0x1000, s12;
	s11 =	sadd.s32 $0x80, s11  }
0x18: {  	p0 =	sle.u32 s2, $0x0  }
0x19: {  	s11 =	simm.s32 @!p0 $0x1;
	p0 =	por p0, p0  }
0x1a: {  	_ =	swait.ge @!p0 [sflag:s11], $0x1000  }
0x1b: {  	[sflag:s11] =	ssyncset.done @!p0 $0x0  }
0x1c: {  	s13 =	simm.s32 @!p0 $0x2;
	[sflag:s11] =	ssyncadd.s32 @!p0 $0xFFFFF000;
	s11 =	simm.s32 @!p0 $0x0  }
0x1d: {  	[hbm4b:s7+s11] =	stream.linear.scatter @!p0 [tilespmem:s10], [sflag:$0x2], $0x1000, $0x38;
	[tilespmem:$0x1F000] =	vst v63  }
0x1e: {  	s12 =	simm.s32 $0x2;
	p2 =	sle.u32 s2, $0x1;
	_ =	swait.ge @!p0 [sflag:s13], $0x1000  }
0x1f: {  	s10 =	simm.s32 $0x2000;
	s11 =	sadd.s32 $0x200, s7;
	[sflag:s13] =	ssyncset.done @!p0 $0x0  }
.LBB2_4:
0x20: {  	s14 =	simm.s32 @!p2 $0x1;
	[sflag:s13] =	ssyncadd.s32 @!p0 $0xFFFFF000  }
0x21: {  	s15 =	smov.u32 s12;
	s12 =	sadd.s32 $0x1, s12;
	p0 =	por p2, p2  }
0x22: {  	p1 =	sne.s32 s12, $0x1E;
	_ =	swait.ge @!p0 [sflag:s14], $0x1000  }
.Ltmp1:
0x23: {  	[sflag:s14] =	ssyncset.done @!p0 $0x0;
	(pc) =	sbr.rel @p1 .LBB2_4-.Ltmp1, $4  }
0x24: {  	s13 =	simm.s32 @!p0 $0x2;
	[sflag:s14] =	ssyncadd.s32 @!p0 $0xFFFFF000;
	s14 =	simm.s32 @!p0 $0x0  }
0x25: {  	[hbm4b:s11+s14] =	stream.linear.scatter @!p0 [tilespmem:s10], [sflag:$0x2], $0x1000, $0x38;
	[tilespmem:$0x1F000] =	vst v63  }
0x26: {  	s10 =	sadd.s32 $0x1000, s10;
	_ =	swait.ge @!p0 [sflag:s13], $0x1000  }
0x27: {  	p2 =	sge.u32 s15, s2;
	s11 =	sadd.s32 $0x200, s11;
	[sflag:s13] =	ssyncset.done @!p0 $0x0  }
0x28: {  	s12 =	simm.s32 @!p2 $0x1;
	[sflag:s13] =	ssyncadd.s32 @!p0 $0xFFFFF000;
	p0 =	por p2, p2  }
0x29: {  	s9 =	sadd.s32 $0x1, s9;
	_ =	swait.ge @!p0 [sflag:s12], $0x1000  }
0x2a: {  	s13 =	simm.s32 @!p0 $0x2;
	p1 =	sne.s32 s9, s6;
	[sflag:s12] =	ssyncset.done @!p0 $0x0  }
.Ltmp2:
0x2b: {  	[sflag:s12] =	ssyncadd.s32 @!p0 $0xFFFFF000;
	s12 =	simm.s32 @!p0 $0x0;
	(pc) =	sbr.rel @p1 .LBB2_1-.Ltmp2, $4  }
0x2c: {  	[hbm4b:s11+s12] =	stream.linear.scatter @!p0 [tilespmem:s10], [sflag:$0x2], $0x1000, $0x38;
	[tilespmem:$0x1F000] =	vst v63  }
0x2d: {  	_ =	swait.ge @!p0 [sflag:s13], $0x1000  }
0x2e: {  	[sflag:s13] =	ssyncset.done @!p0 $0x0  }
0x2f: {  	[sflag:s13] =	ssyncadd.s32 @!p0 $0xFFFFF000  }
0x30: {  	_ =	sfence.sel $0x180000  }
0x31: {  	[bflag:$0x0] =	sbarrier.arrive $0xFFFF  }
0x32: {  	p0 =	sne.s32 s1, $0x0;
	_ =	strace $0x9000004D  }
0x33: {  	s0 =	sadd.s32 @!p0 $0x100000, s0;
	[bflag:$0x2] =	sbarrier.arrive $0xFFFF  }
0x34: {  	[sflag:s0] =	ssyncadd.tile.s32 @!p0 $0x1;
	_ =	shalt  }
.Lfunc_end2:
_tile_overlayer_lowered:
.L_overlay_start_2:
0x35: {  	(tag) =	ssettag $0x2  }
0x36: {  	s0 =	rddreg [dreg:$0x0];
	s2 =	stileid.u32  }
0x37: {  	s1 =	rddreg [dreg:$0x1];
	p0 =	sne.s32 s2, $0x0  }
0x38: {  	s3 =	rddreg [dreg:$0x2];
	[bflag:$0x3] =	sbarrier.arrive $0xFFFF;
	s2 =	simm.s32 @!p0 $0x1C02  }
0x39: {  	[timem:s3], [sflag:s2] =	dma.local @!p0 [hbm:s0], s1  }
0x3a: {  	s0 =	simm.s32 @!p0 $0x2  }
0x3b: {  	_ =	swait.ge @!p0 [sflag:s0], s1  }
0x3c: {  	s1 =	ssub.s32 @!p0 $0x0, s1;
	[sflag:s0] =	ssyncset.done @!p0 $0x0  }
0x3d: {  	[sflag:s0] =	ssyncadd.s32 @!p0 s1  }
0x3e: {  	[bflag:$0x3] =	sbarrier.arrive $0xFFFF  }
0x3f: {  	_ =	shalt  }

// kernel: kernel.19.cloned.1.call-start
scs
__scs_entry_jumppad:
0x0: {  	(pc) =	sbr.rel $0x88, $3  }
0x1: {  	(tag) =	ssettag $0x0;
	lr =	simm.s32 $0x1  }
0x2: {  	[smem:$0x3F8D] =	sst lr;
	_ =	strace $0xD0000000  }
0x3: {  	_ = 	snop  }
0x4: {  	_ = 	snop  }
0x5: {  	_ = 	snop  }
0x6: {  	_ = 	snop  }
0x7: {  	_ = 	snop  }
__scs_overlays_trampoline_lowered:
0x8: {  	[smem:$0x3F9C] =	sst s0  }
0x9: {  	[smem:$0x3F9D] =	sst s1  }
0xa: {  	[smem:$0x3F9E] =	sst s2  }
0xb: {  	[smem:$0x3F9F] =	sst s3  }
0xc: {  	[smem:$0x3FA0] =	sst s4  }
0xd: {  	[smem:$0x3FA1] =	sst s5  }
0xe: {  	[smem:$0x3FA2] =	sst s6  }
0xf: {  	[smem:$0x3FA3] =	sst s7  }
0x10: {  	[smem:$0x3FA4] =	sst s8  }
0x11: {  	[smem:$0x3FA5] =	sst s9;
	s0 =	simm.s32 @!p0 $0x0  }
0x12: {  	s1 =	sld [smem:$0x3F8B];
	s0 =	simm.s32 @p0 $0x1  }
0x13: {  	[smem:$0x3FA6] =	sst s0;
	s0 =	simm.s32 @!p1 $0x0  }
0x14: {  	s2 =	sld [smem:$0x3F8A];
	s0 =	simm.s32 @p1 $0x1  }
0x15: {  	[smem:$0x3FA7] =	sst s0;
	s0 =	simm.s32 @!p2 $0x0  }
0x16: {  	s3 =	sld [smem:$0x3FDB];
	s0 =	simm.s32 @p2 $0x1  }
0x17: {  	s4 =	simm.s32 $0x1BF5;
	[smem:$0x3FA9] =	sst s0  }
0x18: {  	s0 =	sld [smem:$0x3F8C];
	_ =	swait.ge [sflag:s4], $0x0  }
0x19: {  	s7 =	sld [smem:$0x3F8D]  }
0x1a: {  	s8 =	sadd.s32 $0xFFFFE003, lr  }
0x1b: {  	s9 =	sadd.s32 $0xFFFFFEF7, lr;
	s5 =	simm.s32 $0xFFFFFFFF;
	p2 =	slt.u32 s8, $0xFFFFF086  }
0x1c: {  	p1 =	slt.u32 s9, $0xF7A;
	s5 =	simm.s32 @!p2 $0x0  }
0x1d: {  	s5 =	simm.s32 @p1 $0x1;
	p0 =	seq.s32 s7, s2  }
0x1e: {  	s7 =	smul.u32 @!p0 $0xF7A, s2;
	p2 =	seq.s32 @!p0 s5, $0x0  }
0x1f: {  	s9 =	smul.u32 $0xF7A, s1;
	s8 =	simm.s32 @!p0 $0x1BF5;
	p2 =	por !p2, p0  }
0x20: {  	[sflag:s8] =	ssyncset.s32 @!p0 $0xFFFFF086;
	s6 =	sadd.s32 @!p0 s3, s7;
	s7 =	simm.s32 @!p0 $0x108  }
0x21: {  	s3 =	sadd.s32 s3, s9;
	s6 =	sadd.s32 @!p0 $0x88, s6;
	s7 =	simm.s32 @p2 $0x1082  }
0x22: {  	[simem:s7], [sflag:s8] =	dma.local @!p0 [hbm:s6], $0xF7A  }
0x23: {  	s9 =	sor.u32 $0xD0000000, s2;
	s6 =	simm.s32 $0x108;
	_ =	swait.ge @!p0 [sflag:s8], $0x0  }
0x24: {  	s3 =	sadd.s32 $0x88, s3;
	s6 =	simm.s32 @!p1 $0x1082;
	[sflag:s4] =	ssyncset.s32 $0xFFFFF086  }
0x25: {  	[simem:s6], [sflag:s4] =	dma.local [hbm:s3], $0xF7A  }
0x26: {  	[smem:$0x3F8D] =	sst s1;
	(tag) =	ssettag s2;
	_ =	strace s9  }
0x27: {  	s1 =	sld [smem:$0x3F9D]  }
0x28: {  	s2 =	sld [smem:$0x3F9E]  }
0x29: {  	s4 =	sld [smem:$0x3FA0]  }
0x2a: {  	p0 =	seq.s32 s5, $0x0;
	s5 =	sld [smem:$0x3FA1]  }
0x2b: {  	s6 =	sld [smem:$0x3FA2]  }
0x2c: {  	s7 =	sld [smem:$0x3FA3]  }
0x2d: {  	s3 =	simm.s32 $0x108;
	s8 =	sld [smem:$0x3FA4]  }
0x2e: {  	s3 =	simm.s32 @!p0 $0x1082;
	s9 =	sld [smem:$0x3FA5]  }
0x2f: {  	lr =	sadd.s32 s0, s3;
	s0 =	sld [smem:$0x3F9C]  }
0x30: {  	s3 =	sld [smem:$0x3F9F]  }
0x31: {  	[smem:$0x3FA8] =	sst s10  }
0x32: {  	s10 =	sld [smem:$0x3FA6];
	_ =	sdelay $0x3  }
0x33: {  	p0 =	seq.s32 s10, $0x1;
	s10 =	sld [smem:$0x3FA8];
	_ =	sdelay $0x3  }
0x34: {  	[smem:$0x3FA8] =	sst s10  }
0x35: {  	s10 =	sld [smem:$0x3FA7];
	_ =	sdelay $0x3  }
0x36: {  	p1 =	seq.s32 s10, $0x1;
	s10 =	sld [smem:$0x3FA8];
	_ =	sdelay $0x3  }
0x37: {  	[smem:$0x3FA8] =	sst s10  }
0x38: {  	s10 =	sld [smem:$0x3FA9]  }
0x39: {  	_ = 	snop;
	(pc) =	sbr.ind lr, $3  }
0x3a: {  	_ = 	snop  }
0x3b: {  	_ = 	snop  }
0x3c: {  	p2 =	seq.s32 s10, $0x1;
	s10 =	sld [smem:$0x3FA8]  }
0x3d: {  	_ =	shalt  }
0x3e: {  	_ =	shalt  }
0x3f: {  	_ =	shalt  }
0x40: {  	_ =	shalt  }
0x41: {  	_ =	shalt  }
0x42: {  	_ =	shalt  }
0x43: {  	_ =	shalt  }
0x44: {  	_ =	shalt  }
0x45: {  	_ =	shalt  }
0x46: {  	_ =	shalt  }
0x47: {  	_ =	shalt  }
0x48: {  	_ =	shalt  }
0x49: {  	_ =	shalt  }
0x4a: {  	_ =	shalt  }
0x4b: {  	_ =	shalt  }
0x4c: {  	_ =	shalt  }
0x4d: {  	_ =	shalt  }
0x4e: {  	_ =	shalt  }
0x4f: {  	_ =	shalt  }
0x50: {  	_ =	shalt  }
0x51: {  	_ =	shalt  }
0x52: {  	_ =	shalt  }
0x53: {  	_ =	shalt  }
0x54: {  	_ =	shalt  }
0x55: {  	_ =	shalt  }
0x56: {  	_ =	shalt  }
0x57: {  	_ =	shalt  }
0x58: {  	_ =	shalt  }
0x59: {  	_ =	shalt  }
0x5a: {  	_ =	shalt  }
0x5b: {  	_ =	shalt  }
0x5c: {  	_ =	shalt  }
0x5d: {  	_ =	shalt  }
0x5e: {  	_ =	shalt  }
0x5f: {  	_ =	shalt  }
0x60: {  	_ =	shalt  }
0x61: {  	_ =	shalt  }
0x62: {  	_ =	shalt  }
0x63: {  	_ =	shalt  }
0x64: {  	_ =	shalt  }
0x65: {  	_ =	shalt  }
0x66: {  	_ =	shalt  }
0x67: {  	_ =	shalt  }
0x68: {  	_ =	shalt  }
0x69: {  	_ =	shalt  }
0x6a: {  	_ =	shalt  }
0x6b: {  	_ =	shalt  }
0x6c: {  	_ =	shalt  }
0x6d: {  	_ =	shalt  }
0x6e: {  	_ =	shalt  }
0x6f: {  	_ =	shalt  }
0x70: {  	_ =	shalt  }
0x71: {  	_ =	shalt  }
0x72: {  	_ =	shalt  }
0x73: {  	_ =	shalt  }
0x74: {  	_ =	shalt  }
0x75: {  	_ =	shalt  }
0x76: {  	_ =	shalt  }
0x77: {  	_ =	shalt  }
0x78: {  	_ =	shalt  }
0x79: {  	_ =	shalt  }
0x7a: {  	_ =	shalt  }
0x7b: {  	_ =	shalt  }
0x7c: {  	_ =	shalt  }
0x7d: {  	_ =	shalt  }
0x7e: {  	_ =	shalt  }
0x7f: {  	_ =	shalt  }
0x80: {  	_ =	shalt  }
0x81: {  	_ =	shalt  }
0x82: {  	_ =	shalt  }
0x83: {  	_ =	shalt  }
0x84: {  	_ =	shalt  }
0x85: {  	_ =	shalt  }
0x86: {  	_ =	shalt  }
0x87: {  	_ =	shalt  }
.Lfunc_end0:
.L_simem_size_0:
called_computation.3_lowered:
.L_overlay_start_0:
0x88: {  	s2 =	sld [smem:$0x3FD9]  }
0x89: {  	s3 =	sld [smem:$0x3FFE];
	_ =	sdelay $0x1  }
0x8a: {  	s1 =	srdreg.scid  }
0x8b: {  	s0 =	sand.u32 $0x1, s1  }
0x8c: {  	s16 =	sshll.u32 s0, $0xA;
	s2 =	sadd.s32 s3, s2  }
0x8d: {  	s2 =	sadd.s32 s2, s16  }
0x8e: {  	[smem:$0x3FB4] =	sst s2  }
0x8f: {  	_ = 	snop  }
0x90: {  	(tm) =	ssettm $0x1  }
0x91: {  	s17 =	sld [smem:$0x3FFB];
	_ =	sdelay $0x3  }
0x92: {  	_ =	strace s17  }
0x93: {  	s2 =	sld [smem:$0x3FFC];
	_ =	sdelay $0x3  }
0x94: {  	_ =	strace s2  }
0x95: {  	s2 =	sld [smem:$0x3FFD];
	_ =	sdelay $0x3  }
0x96: {  	_ =	strace s2  }
0x97: {  	_ =	strace $0x8FFFFFFF  }
0x98: {  	s18 =	sld [smem:$0x3FDB];
	_ =	sdelay $0x1  }
0x99: {  	s19 =	simm.s32 $_scs_section_size  }
0x9a: {  	s4 =	simm.s32 $_size__tile_overlayer_lowered;
	s5 =	simm.s32 $_tile_overlayer_lowered  }
0x9b: {  	s22 =	simm.s32 $0x1BFF;
	s21 =	sshll.u32 s5, $0x1;
	s2 =	sadd.s32 s19, s18  }
0x9c: {  	s6 =	simm.s32 $0x0;
	s20 =	sshll.u32 s4, $0x1;
	s4 =	sadd.s32 s21, s2  }
0x9d: {  	[timem:s6], [sflag:s22] =	dma.local [hbm:s4], s20  }
0x9e: {  	_ =	swait.ge [sflag:s22], s20  }
0x9f: {  	s3 =	ssub.s32 $0x0, s20;
	[sflag:s22] =	ssyncset.done $0x0  }
0xa0: {  	[sflag:s22] =	ssyncadd.s32 s3;
	_ =	sdelay $0x1  }
0xa1: {  	s23 =	simm.s32 $0x1B8B  }
0xa2: {  	_ =	swait.ge [sflag:s23], $0x1  }
0xa3: {  	[sflag:s23] =	ssyncset.done $0x0  }
0xa4: {  	s25 =	simm.s32 $0x1B8E;
	s24 =	sld [smem:$0x3FFE];
	[sflag:s23] =	ssyncadd.s32 $0xFFFFFFFF  }
0xa5: {  	s26 =	simm.s32 $execute0_lowered;
	[smem:$0x3FD2] =	sst s25  }
0xa6: {  	s4 =	sshll.u32 s26, $0x1;
	_ =	strace $0x8000004F;
	[dreg:$0x1] =	wrdreg $0xFFFFFFFF  }
0xa7: {  	s28 =	simm.s32 $_size_execute0_lowered;
	s2 =	sadd.s32 s2, s4;
	[dreg:$0x0] =	wrdreg $0x0  }
0xa8: {  	s4 =	sshll.u32 s28, $0x1;
	[dreg:$0x2] =	wrdreg s2  }
0xa9: {  	[dreg:$0x3] =	wrdreg s4  }
0xaa: {  	[dreg:$0x4] =	wrdreg $0xC0  }
0xab: {  	_ =	task [dreg:s6], $0x5FFFF  }
0xac: {  	[dreg:$0x1] =	wrdreg $0xFFFFFFFF  }
0xad: {  	[dreg:$0x0] =	wrdreg $0x60  }
0xae: {  	[dreg:$0x2] =	wrdreg s24  }
0xaf: {  	[dreg:$0x3] =	wrdreg $0x20000  }
0xb0: {  	[dreg:$0x4] =	wrdreg $0x9  }
0xb1: {  	_ =	task.clear_ibuf [dreg:s6], $0x5FFFF;
	_ =	strace $0x9000004F  }
0xb2: {  	s29 =	simm.s32 $0x9;
	_ =	strace $0x80000051  }
0xb3: {  	_ =	swait.ge [sflag:s29], $0x1  }
0xb4: {  	[sflag:s29] =	ssyncadd.s32 $0xFFFFFFFF  }
0xb5: {  	_ =	strace $0x90000051  }
0xb6: {  	_ =	sfence  }
0xb7: {  	s30 =	sld [smem:$0x0];
	_ =	sdelay $0x2  }
0xb8: {  	s31 =	sshll.u32 s1, $0xD;
	s1 =	sshrl.u32 s1, $0x2  }
0xb9: {  	s3 =	sand.u32 $0x4000, s31;
	s1 =	sadd.s32 s1, s30  }
0xba: {  	s0 =	sor.u32 s3, s0;
	s1 =	sshll.u32 s1, $0x11  }
0xbb: {  	s0 =	sor.u32 s1, s0  }
0xbc: {  	s0 =	sadd.s32 $0x8F2B, s0  }
0xbd: {  	[sflag:s0] =	ssyncadd.remote.s32 $0x1  }
0xbe: {  	_ =	sfence.sel $0xFFFF  }
0xbf: {  	[dreg:$0x0] =	wrdreg $0xFFFFFFFF;
	(pc) =	sbr.abs _section_cstart, $3  }
0xc0: {  	[dreg:$0x1] =	wrdreg $0xFFFFFFFF  }
0xc1: {  	_ =	task.clear_ibuf [dreg:s6], $0x2FFFF;
	_ =	strace $0x9FFFFFFF  }
0xc2: {  	(tm) =	ssettm $0x7FFFFFFF  }
0xc3: {  	_ =	shalt  }
tec
execute0_lowered:
.L_overlay_start_1:
0x0: {  	(tag) =	ssettag $0x1  }
0x1: {  	s5 =	rddreg [dreg:$0x0]  }
0x2: {  	s2 =	rddreg [dreg:$0x1]  }
0x3: {  	s3 =	srdreg.scid;
	s1 =	stileid.u32  }
0x4: {  	s0 =	rddreg [dreg:$0x2];
	s16 =	simm.s32 $0x80;
	s17 =	simm.s32 $0xC00  }
0x5: {  	s18 =	simm.s32 $0x0;
	s7 =	sand.u32 $0x1, s3;
	s4 =	sshll.u32 s1, $0x1  }
0x6: {  	s3 =	simm.s32 $0x0;
	s8 =	smul.u32 $0x5000, s1;
	s30 =	sshll.u32 s1, $0x6  }
0x7: {  	s15 =	smul.u32 $0x19000, s1;
	s6 =	sor.u32 s7, s4;
	[smem:$0x7FF] =	sst s3  }
0x8: {  	s10 =	smul.u32 $0x50000, s7;
	s4 =	sadd.s32 $0x3C00, s5;
	s12 =	ssub.s32 $0x2, s7  }
0x9: {  	s31 =	smul.u32 $0xC800, s7;
	s9 =	sshll.u32 s6, $0x9;
	_ =	strace $0x80000050  }
0xa: {  	s11 =	sshrl.u32 s8, $0x3;
	s13 =	sshrl.u32 s12, $0x1;
	s29 =	smul.u32 $0x1900, s6  }
0xb: {  	s14 =	sadd.s32 s8, s2;
	s6 =	sor.u32 $0x1C02, s30;
	s9 =	sadd.s32 s9, s5  }
0xc: {  	s10 =	sadd.s32 s8, s10;
	s11 =	sadd.s32 s11, s5;
	s12 =	ssub.s32 s12, s13  }
0xd: {  	s13 =	simm.s32 $0x2;
	s10 =	sshrl.u32 s10, $0x3;
	s7 =	sadd.s32 $0x43A00, s9  }
0xe: {  	s8 =	sadd.s32 s4, s29;
	s10 =	sadd.s32 s10, s5;
	s5 =	sadd.s32 $0x35C00, s11  }
0xf: {  	s11 =	sadd.s32 s31, s15;
	s15 =	simm.s32 $0x1;
	s9 =	sadd.s32 $0x47A00, s10  }
0x10: {  	s10 =	smax.u32 s12, $0x1;
	s12 =	sshrl.u32 s14, $0x3;
	s14 =	simm.s32 $0x1000  }
.LBB2_1:
0x11: {  	[spmem:s12], [sflag:s6] =	dma.local [hbm:s5], $0xA00  }
0x12: {  	_ =	swait.ge [sflag:s13], $0xA00  }
0x13: {  	[sflag:s13] =	ssyncset.done $0x0  }
0x14: {  	[sflag:s13] =	ssyncadd.s32 $0xFFFFF600  }
0x15: {  	[tilespmem:s3], [sflag:$0x2] =	stream.linear.gather [hbm4b:s7+s3], $0x1000, $0x38;
	[tilespmem:$0x7000] =	vst v63  }
0x16: {  	_ =	swait.ge [sflag:s13], $0x1000  }
0x17: {  	[sflag:s13] =	ssyncset.done $0x0  }
0x18: {  	s19 =	simm.s32 $0x800;
	s20 =	sadd.s32 $0x800, s11;
	[sflag:s13] =	ssyncadd.s32 $0xFFFFF000  }
0x19: {  	s19 =	sand.u32 $0x800, s19;
	s20 =	sshrl.u32 s20, $0x3;
	[bflag:$0x0] =	sbarrier.arrive $0xFFFF  }
0x1a: {  	[tilespmem:s14], [sflag:$0x1] =	stream.linear.gather [hbm4b:s8+s3], $0x800, $0x38;
	[tilespmem:$0x7000] =	vst v63  }
0x1b: {  	s19 =	sor.u32 $0x1000, s19;
	s20 =	sadd.s32 s4, s20  }
0x1c: {  	[tilespmem:s19], [sflag:$0x1] =	stream.linear.gather [hbm4b:s20+s3], $0x800, $0x38;
	[tilespmem:$0x7000] =	vst v63  }
0x1d: {  	s31 =	simm.s32 $0x0;
	_ =	swait.ge [sflag:s15], $0x800  }
0x1e: {  	s21 =	simm.s32 $0x1800;
	s20 =	sand.u32 $0x800, s31;
	[sflag:s15] =	ssyncset.done $0x0  }
0x1f: {  	s23 =	sadd.s32 $0x1000, s11;
	s20 =	sor.u32 $0x1000, s20;
	[sflag:s15] =	ssyncadd.s32 $0xFFFFF800  }
0x20: {  	[spmem:s2] =	stream.indirect.scatter.add.f32 [tilespmem:s20], [sflag:$0x2], $0x10, s3, s16, $0xb8;
	[tilespmem:$0x7000] =	vst v63  }
0x21: {  	s23 =	sshrl.u32 s23, $0x3;
	s19 =	simm.s32 $0x1000;
	_ =	swait.ge [sflag:s13], $0x800  }
0x22: {  	s22 =	sand.u32 $0x800, s19;
	s20 =	simm.s32 $0x80;
	[sflag:s13] =	ssyncset.done $0x0  }
.LBB2_2:
0x23: {  	s22 =	sor.u32 $0x1000, s22;
	s23 =	sadd.s32 s4, s23;
	[sflag:s13] =	ssyncadd.s32 $0xFFFFF800  }
0x24: {  	s24 =	smov.u32 s19;
	s19 =	smov.u32 s21;
	s25 =	sadd.s32 $0x800, s21  }
0x25: {  	[tilespmem:s22], [sflag:$0x1] =	stream.linear.gather [hbm4b:s23+s3], $0x800, $0x38;
	[tilespmem:$0x7000] =	vst v63  }
0x26: {  	p0 =	sne.s32 s21, $0xC000;
	s22 =	sadd.s32 $0xFFFFF800, s24;
	_ =	swait.ge [sflag:s15], $0x800  }
.Ltmp0:
0x27: {  	s22 =	sand.u32 $0x800, s22;
	[sflag:s15] =	ssyncset.done $0x0;
	(pc) =	sbr.rel @p0 .LBB2_2-.Ltmp0, $4  }
0x28: {  	s21 =	sor.u32 $0x1000, s22;
	s22 =	sand.u32 $0x800, s19;
	[sflag:s15] =	ssyncadd.s32 $0xFFFFF800  }
0x29: {  	[spmem:s2] =	stream.indirect.scatter.add.f32 [tilespmem:s21], [sflag:$0x2], $0x10, s20, s16, $0xb8;
	[tilespmem:$0x7000] =	vst v63  }
0x2a: {  	s21 =	sadd.s32 s19, s11;
	s20 =	sadd.s32 $0x80, s20;
	_ =	swait.ge [sflag:s13], $0x800  }
0x2b: {  	s23 =	sshrl.u32 s21, $0x3;
	s21 =	smov.u32 s25;
	[sflag:s13] =	ssyncset.done $0x0  }
0x2c: {  	s21 =	sor.u32 $0x1000, s22;
	s31 =	sadd.s32 s4, s23;
	[sflag:s13] =	ssyncadd.s32 $0xFFFFF800  }
0x2d: {  	[tilespmem:s21], [sflag:$0x1] =	stream.linear.gather [hbm4b:s31+s3], $0x800, $0x38;
	[tilespmem:$0x7000] =	vst v63  }
0x2e: {  	s19 =	sadd.s32 $0xFFFFF800, s19;
	_ =	swait.ge [sflag:s15], $0x800  }
0x2f: {  	s19 =	sand.u32 $0x800, s19;
	[sflag:s15] =	ssyncset.done $0x0  }
0x30: {  	s19 =	sor.u32 $0x1000, s19;
	[sflag:s15] =	ssyncadd.s32 $0xFFFFF800  }
0x31: {  	[spmem:s2] =	stream.indirect.scatter.add.f32 [tilespmem:s19], [sflag:$0x2], $0x10, s20, s16, $0xb8;
	[tilespmem:$0x7000] =	vst v63  }
0x32: {  	_ =	swait.ge [sflag:s13], $0x800  }
0x33: {  	[sflag:s13] =	ssyncset.done $0x0  }
0x34: {  	[sflag:s13] =	ssyncadd.s32 $0xFFFFF800  }
0x35: {  	_ =	swait.ge [sflag:s15], $0x800  }
0x36: {  	[sflag:s15] =	ssyncset.done $0x0  }
0x37: {  	[sflag:s15] =	ssyncadd.s32 $0xFFFFF800  }
0x38: {  	[spmem:s2] =	stream.indirect.scatter.add.f32 [tilespmem:s14], [sflag:$0x2], $0x10, s17, s16, $0xb8;
	[tilespmem:$0x7000] =	vst v63  }
0x39: {  	_ =	swait.ge [sflag:s13], $0x800  }
0x3a: {  	s18 =	sadd.s32 $0x1, s18;
	[sflag:s13] =	ssyncset.done $0x0  }
0x3b: {  	p0 =	sne.s32 s18, s10;
	[sflag:s13] =	ssyncadd.s32 $0xFFFFF800  }
.Ltmp1:
0x3c: {  	[bflag:$0x0] =	sbarrier.arrive $0xFFFF;
	(pc) =	sbr.rel @p0 .LBB2_1-.Ltmp1, $4  }
0x3d: {  	[hbm:s9], [sflag:s6] =	dma.local [spmem:s12], $0xA00  }
0x3e: {  	_ =	swait.ge [sflag:s13], $0xA00  }
0x3f: {  	[sflag:s13] =	ssyncset.done $0x0  }
0x40: {  	[sflag:s13] =	ssyncadd.s32 $0xFFFFF600  }
0x41: {  	_ =	sfence.sel $0x180000  }
0x42: {  	[bflag:$0x0] =	sbarrier.arrive $0xFFFF  }
0x43: {  	p0 =	sne.s32 s1, $0x0;
	_ =	strace $0x90000050  }
0x44: {  	s0 =	sadd.s32 @!p0 $0x100000, s0;
	[bflag:$0x2] =	sbarrier.arrive $0xFFFF  }
0x45: {  	[sflag:s0] =	ssyncadd.tile.s32 @!p0 $0x1;
	_ =	shalt  }
.Lfunc_end2:
_tile_overlayer_lowered:
.L_overlay_start_2:
0x46: {  	(tag) =	ssettag $0x2  }
0x47: {  	s0 =	rddreg [dreg:$0x0];
	s2 =	stileid.u32  }
0x48: {  	s1 =	rddreg [dreg:$0x1];
	p0 =	sne.s32 s2, $0x0  }
0x49: {  	s3 =	rddreg [dreg:$0x2];
	[bflag:$0x3] =	sbarrier.arrive $0xFFFF;
	s2 =	simm.s32 @!p0 $0x1C02  }
0x4a: {  	[timem:s3], [sflag:s2] =	dma.local @!p0 [hbm:s0], s1  }
0x4b: {  	s0 =	simm.s32 @!p0 $0x2  }
0x4c: {  	_ =	swait.ge @!p0 [sflag:s0], s1  }
0x4d: {  	s1 =	ssub.s32 @!p0 $0x0, s1;
	[sflag:s0] =	ssyncset.done @!p0 $0x0  }
0x4e: {  	[sflag:s0] =	ssyncadd.s32 @!p0 s1  }
0x4f: {  	[bflag:$0x3] =	sbarrier.arrive $0xFFFF  }
0x50: {  	_ =	shalt  }

</sc_bundles>
